<compile_context>
chip_gen: v7x
topology: tpu7x:2x2x1
jax: 0.10.2.dev20260603
libtpu: 0.0.44.dev20260713+nightly
codegen_flags: <defaults>
</compile_context>

<pallas_src>
import functools

import jax
import jax.numpy as jnp
from jax import lax
from jax.experimental import pallas as pl
from jax.experimental.pallas import tpu as pltpu
from jax.experimental.pallas import tpu_sc as plsc

B, N, C, S = 8, 4096, 128, 32
V = S * S * S
H = S / 2.0
NC, NS, L = 2, 16, 16
NW = NC * NS
PTS_W = (B * N) // NW
ROWS_W = PTS_W * 8
CHUNK = 256
NCHUNK = ROWS_W // CHUNK
ZROW = B * V
TBLK = 8192
TROWS = B * V + TBLK
TSTEPS = B * (V // TBLK) + 1


def _table_body(x_ref, o_ref):
    i = pl.program_id(0)

    @pl.when(i < TSTEPS - 1)
    def _():
        o_ref[...] = x_ref[0].T

    @pl.when(i == TSTEPS - 1)
    def _():
        o_ref[...] = jnp.zeros((TBLK, C), jnp.float32)


def _build_table(cf):
    x = cf.reshape(B, C, V)
    nb = V // TBLK
    return pl.pallas_call(
        _table_body,
        grid=(TSTEPS,),
        in_specs=[pl.BlockSpec(
            (1, C, TBLK),
            lambda i: (jnp.minimum(i, TSTEPS - 2) // nb, 0,
                       jnp.minimum(i, TSTEPS - 2) % nb))],
        out_specs=pl.BlockSpec((TBLK, C), lambda i: (i, 0)),
        out_shape=jax.ShapeDtypeStruct((TROWS, C), jnp.float32),
    )(x)


@functools.partial(
    pl.kernel,
    out_type=jax.ShapeDtypeStruct((B * N * 8, C), jnp.float32),
    mesh=plsc.VectorSubcoreMesh(core_axis_name="c", subcore_axis_name="s"),
    compiler_params=pltpu.CompilerParams(needs_layout_passes=False),
    scratch_types=[
        pltpu.VMEM((PTS_W * 3,), jnp.float32),
        pltpu.VMEM((ROWS_W,), jnp.int32),
        pltpu.VMEM((CHUNK, C), jnp.float32),
        pltpu.VMEM((CHUNK, C), jnp.float32),
        pltpu.SemaphoreType.DMA,
        pltpu.SemaphoreType.DMA,
        pltpu.SemaphoreType.DMA,
        pltpu.SemaphoreType.DMA,
    ],
)
def _sample(pts_hbm, table_hbm, out_hbm, pts_v, idx_v, buf0, buf1,
            gsem0, gsem1, osem0, osem1):
    wid = lax.axis_index("s") * NC + lax.axis_index("c")
    p0 = wid * PTS_W
    base_row = (p0 // N) * V
    pltpu.sync_copy(pts_hbm.at[pl.ds(p0 * 3, PTS_W * 3)], pts_v)

    lanes = lax.iota(jnp.int32, L)

    def compute_idx(i, carry):
        offs = i * (3 * L) + lanes * 3

        def parts(o, mul):
            p = plsc.load_gather(pts_v, [offs + o]) * H + H
            t = p.astype(jnp.int32)
            lo = t - (p < t.astype(jnp.float32)).astype(jnp.int32)
            up = lo + 1
            return (lo * mul, up * mul,
                    (lo >= 0) & (lo < S), (up >= 0) & (up < S))

        xl, xu, vxl, vxu = parts(0, S * S)
        yl, yu, vyl, vyu = parts(1, S)
        zl, zu, vzl, vzu = parts(2, 1)
        pos0 = i * (8 * L) + lanes * 8
        for j in range(8):
            cx, vx = (xu, vxu) if j & 4 else (xl, vxl)
            cy, vy = (yu, vyu) if j & 2 else (yl, vyl)
            cz, vz = (zu, vzu) if j & 1 else (zl, vzl)
            r = jnp.where(vx & vy & vz, base_row + cx + cy + cz, ZROW)
            plsc.store_scatter(idx_v, [pos0 + j], r)
        return carry

    lax.fori_loop(0, PTS_W // L, compute_idx, 0)

    out0 = wid * ROWS_W

    bufs = (buf0, buf1)
    gsems = (gsem0, gsem1)
    osems = (osem0, osem1)
    gcopies = [None, None]
    ocopies = [None, None]
    for k in range(NCHUNK):
        s = k % 2
        if ocopies[s] is not None:
            ocopies[s].wait()
        gcopies[s] = pltpu.async_copy(
            table_hbm.at[idx_v.at[pl.ds(k * CHUNK, CHUNK)]], bufs[s],
            gsems[s])
        if k > 0:
            s1 = (k - 1) % 2
            gcopies[s1].wait()
            ocopies[s1] = pltpu.async_copy(
                bufs[s1], out_hbm.at[pl.ds(out0 + (k - 1) * CHUNK, CHUNK)],
                osems[s1])
    s = (NCHUNK - 1) % 2
    gcopies[s].wait()
    pltpu.sync_copy(bufs[s], out_hbm.at[pl.ds(out0 + (NCHUNK - 1) * CHUNK,
                                              CHUNK)])
    ocopies[1 - s].wait()


def kernel(ptcloud, cubic_features):
    table = _build_table(cubic_features)
    out = _sample(ptcloud.reshape(B * N * 3), table)
    return out.reshape(B, N, 8, C)

# --- scband reference (transcript-rebuilt; emitter-appended) ---
"""Pipeline reference for scband-cubic-feature-sampling-38397007626443 (READ-ONLY COPY).

The authoritative reference and input builder live on the scoring server;
editing this copy changes nothing except your own understanding.
"""

import jax, jax.numpy as jnp
import numpy as np


def setup_inputs(seed: int = 0):
    key = jax.random.key(seed)
    k1, k2 = jax.random.split(key)
    ptcloud = jax.random.uniform(k1, (8, 4096, 3), dtype=jnp.float32)
    cubic_features = jax.random.normal(k2, (8, 128, 32, 32, 32), dtype=jnp.float32)
    return {"ptcloud": ptcloud, "cubic_features": cubic_features}


def _cubic_feature_sampling(ptcloud, cubic_features):
    # Faithful port of GRNet's cubic_feature_sampling CUDA kernel.
    # ptcloud: [B, N, 3] in roughly [-1, 1]; cubic_features: [B, C, S, S, S]
    # Output: point_features [B, N, 8, C] - features at the 8 corner grid
    # vertices of the voxel containing each (scaled) point; out-of-grid
    # vertices contribute zeros.
    B = cubic_features.shape[0]
    C = cubic_features.shape[1]
    S = cubic_features.shape[2]
    N = ptcloud.shape[1]
    h = S / 2.0
    pt = ptcloud * h + h  # scale to [0, S]
    lower = jnp.floor(pt)
    upper = jnp.ceil(pt)
    upper = jnp.where(upper == lower, upper + 1.0, upper)
    lo = lower.astype(jnp.int32)
    up = upper.astype(jnp.int32)
    xs = jnp.stack([lo[..., 0], up[..., 0]], axis=-1)  # [B, N, 2]
    ys = jnp.stack([lo[..., 1], up[..., 1]], axis=-1)
    zs = jnp.stack([lo[..., 2], up[..., 2]], axis=-1)
    ix = xs[:, :, :, None, None]
    iy = ys[:, :, None, :, None]
    iz = zs[:, :, None, None, :]
    ix, iy, iz = jnp.broadcast_arrays(ix, iy, iz)
    ix = ix.reshape(B, N, 8)
    iy = iy.reshape(B, N, 8)
    iz = iz.reshape(B, N, 8)
    valid = ((ix >= 0) & (ix < S) & (iy >= 0) & (iy < S) & (iz >= 0) & (iz < S))
    flat_idx = ix * (S * S) + iy * S + iz  # [B, N, 8]
    flat_idx = jnp.where(valid, flat_idx, 0)
    feats = cubic_features.reshape(B, C, S * S * S)
    gathered = jnp.take_along_axis(feats, flat_idx.reshape(B, 1, N * 8), axis=2)  # [B, C, N*8]
    gathered = gathered.reshape(B, C, N, 8)
    point_features = jnp.transpose(gathered, (0, 2, 3, 1))  # [B, N, 8, C]
    point_features = point_features * valid[..., None].astype(point_features.dtype)
    return point_features


def reference(ptcloud, cubic_features):
    return _cubic_feature_sampling(ptcloud, cubic_features)

if __name__ == "__main__":
    import jax
    _d = setup_inputs()
    print(jax.jit(kernel)(*tuple(_d.values())))

</pallas_src>

<mosaic_0001>
#map = affine_map<(d0, d1) -> (0)>
#map1 = affine_map<(d0, d1) -> (0, 0)>
module attributes {stable_mosaic.version = 14 : i64} {
  func.func @_sample(%arg0: i32, %arg1: i32, %arg2: memref<98304xf32, #tpu.memory_space<hbm>>, %arg3: memref<270336x128xf32, #tpu.memory_space<hbm>>, %arg4: memref<262144x128xf32, #tpu.memory_space<hbm>>, %arg5: memref<3072xf32, #tpu.memory_space<vmem>>, %arg6: memref<8192xi32, #tpu.memory_space<vmem>>, %arg7: memref<256x128xf32, #tpu.memory_space<vmem>>, %arg8: memref<256x128xf32, #tpu.memory_space<vmem>>, %arg9: memref<!tpu.dma_semaphore, #tpu.memory_space<semaphore_mem>>, %arg10: memref<!tpu.dma_semaphore, #tpu.memory_space<semaphore_mem>>, %arg11: memref<!tpu.dma_semaphore, #tpu.memory_space<semaphore_mem>>, %arg12: memref<!tpu.dma_semaphore, #tpu.memory_space<semaphore_mem>>) attributes {dimension_semantics = [#tpu.dimension_semantics<core_parallel>, #tpu.dimension_semantics<subcore_parallel>], iteration_bounds = array<i64: 2, 16>, scalar_prefetch = 0 : i64, scratch_operands = 8 : i64, tpu.core_type = #tpu.core_type<sc_vector_subcore>, window_params = [{transform_indices = #map}, {transform_indices = #map1}, {transform_indices = #map1}]} {
    %mul3A = arith.constant 2 : i32
    %mul3A_0 = arith.muli %arg1, %mul3A : i32
    %add3A = arith.addi %mul3A_0, %arg0 : i32
    %mul3A_1 = arith.constant 1024 : i32
    %mul3A_2 = arith.muli %add3A, %mul3A_1 : i32
    %jit3A = arith.constant 4096 : i32
    %div3A = arith.divsi %mul3A_2, %jit3A : i32
    %sign3A = arith.constant 0 : i32
    %sign3A_3 = arith.cmpi sgt, %mul3A_2, %sign3A : i32
    %sign3A_4 = arith.extui %sign3A_3 : i1 to i32
    %sign3A_5 = arith.constant 0 : i32
    %sign3A_6 = arith.cmpi slt, %mul3A_2, %sign3A_5 : i32
    %sign3A_7 = arith.extui %sign3A_6 : i1 to i32
    %sign3A_8 = arith.subi %sign3A_4, %sign3A_7 : i32
    %sign3A_9 = arith.constant 0 : i32
    %sign3A_10 = arith.cmpi sgt, %jit3A, %sign3A_9 : i32
    %sign3A_11 = arith.extui %sign3A_10 : i1 to i32
    %sign3A_12 = arith.constant 0 : i32
    %sign3A_13 = arith.cmpi slt, %jit3A, %sign3A_12 : i32
    %sign3A_14 = arith.extui %sign3A_13 : i1 to i32
    %sign3A_15 = arith.subi %sign3A_11, %sign3A_14 : i32
    %ne3A = arith.cmpi ne, %sign3A_8, %sign3A_15 : i32
    %rem3A = arith.remsi %mul3A_2, %jit3A : i32
    %ne3A_16 = arith.constant 0 : i32
    %ne3A_17 = arith.cmpi ne, %rem3A, %ne3A_16 : i32
    %and3A = arith.andi %ne3A, %ne3A_17 : i1
    %sub3A = arith.constant 1 : i32
    %sub3A_18 = arith.subi %div3A, %sub3A : i32
    %select_n3A = arith.select %and3A, %sub3A_18, %div3A : i32
    %mul3A_19 = arith.constant 32768 : i32
    %mul3A_20 = arith.muli %select_n3A, %mul3A_19 : i32
    %mul3A_21 = arith.constant 3 : i32
    %mul3A_22 = arith.muli %mul3A_2, %mul3A_21 : i32
    "tpu.region"() ({
      %run_scoped3A = tpu.sem_alloc : memref<!tpu.dma_semaphore, #tpu.memory_space<semaphore_mem>>
      %dma_start3A_660 = tpu.memref_slice %arg2[%mul3A_22] : memref<98304xf32, #tpu.memory_space<hbm>> -> memref<3072xf32, #tpu.memory_space<hbm>>
      %dma_start3A_661 = tpu.memref_slice %arg2[%mul3A_22] : memref<98304xf32, #tpu.memory_space<hbm>> -> memref<3072xf32, #tpu.memory_space<hbm>>
      tpu.enqueue_dma source(%dma_start3A_661 : memref<3072xf32, #tpu.memory_space<hbm>>) target(%arg5 : memref<3072xf32, #tpu.memory_space<vmem>>) target_semaphore(%run_scoped3A : memref<!tpu.dma_semaphore, #tpu.memory_space<semaphore_mem>>)
      %dma_wait3A_662 = tpu.memref_slice %arg2[%mul3A_22] : memref<98304xf32, #tpu.memory_space<hbm>> -> memref<3072xf32, #tpu.memory_space<hbm>>
      %dma_wait3A_663 = tpu.memref_slice %arg2[%mul3A_22] : memref<98304xf32, #tpu.memory_space<hbm>> -> memref<3072xf32, #tpu.memory_space<hbm>>
      tpu.wait_dma2 semaphore(%run_scoped3A : memref<!tpu.dma_semaphore, #tpu.memory_space<semaphore_mem>>) src(%dma_wait3A_663 : memref<3072xf32, #tpu.memory_space<hbm>>) dst(%arg5 : memref<3072xf32, #tpu.memory_space<vmem>>)
      tpu.yield
    }) : () -> ()
    %iota3A = tpu.iota {dimensions = array<i32: 0>} : vector<16xi32>
    %scan3A = arith.constant 0 : i32
    %scan3A_23 = arith.constant 0 : i32
    %scan3A_24 = arith.constant 64 : i32
    %scan3A_25 = arith.addi %scan3A_23, %scan3A_24 : i32
    %scan3A_26 = arith.constant 1 : i32
    scf.for %scan3A_660 = %scan3A_23 to %scan3A_25 step %scan3A_26  : i32 {
      %mul3A_661 = arith.constant 48 : i32
      %mul3A_662 = arith.muli %scan3A_660, %mul3A_661 : i32
      %mul3A_663 = arith.constant 3 : i32
      %mul3A_664 = vector.broadcast %mul3A_663 : i32 to vector<16xi32>
      %mul3A_665 = arith.muli %iota3A, %mul3A_664 : vector<16xi32>
      %add3A_666 = vector.broadcast %mul3A_662 : i32 to vector<16xi32>
      %add3A_667 = arith.addi %add3A_666, %mul3A_665 : vector<16xi32>
      %add3A_668 = arith.constant 0 : i32
      %add3A_669 = vector.broadcast %add3A_668 : i32 to vector<16xi32>
      %add3A_670 = arith.addi %add3A_667, %add3A_669 : vector<16xi32>
      %gather3A = tpu.vector_load_idx %arg5[%add3A_670] : memref<3072xf32, #tpu.memory_space<vmem>>[vector<16xi32>], vector<16xf32>,
      %mul3A_671 = arith.constant 1.600000e+01 : f32
      %mul3A_672 = vector.broadcast %mul3A_671 : f32 to vector<16xf32>
      %mul3A_673 = arith.mulf %gather3A, %mul3A_672 : vector<16xf32>
      %add3A_674 = arith.constant 1.600000e+01 : f32
      %add3A_675 = vector.broadcast %add3A_674 : f32 to vector<16xf32>
      %add3A_676 = arith.addf %mul3A_673, %add3A_675 : vector<16xf32>
      %convert_element_type3A = arith.fptosi %add3A_676 : vector<16xf32> to vector<16xi32>
      %convert_element_type3A_677 = arith.sitofp %convert_element_type3A : vector<16xi32> to vector<16xf32>
      %lt3A = arith.cmpf olt, %add3A_676, %convert_element_type3A_677 : vector<16xf32>
      %convert_element_type3A_678 = arith.extui %lt3A : vector<16xi1> to vector<16xi32>
      %sub3A_679 = arith.subi %convert_element_type3A, %convert_element_type3A_678 : vector<16xi32>
      %add3A_680 = arith.constant 1 : i32
      %add3A_681 = vector.broadcast %add3A_680 : i32 to vector<16xi32>
      %add3A_682 = arith.addi %sub3A_679, %add3A_681 : vector<16xi32>
      %mul3A_683 = arith.constant 1024 : i32
      %mul3A_684 = vector.broadcast %mul3A_683 : i32 to vector<16xi32>
      %mul3A_685 = arith.muli %sub3A_679, %mul3A_684 : vector<16xi32>
      %mul3A_686 = arith.constant 1024 : i32
      %mul3A_687 = vector.broadcast %mul3A_686 : i32 to vector<16xi32>
      %mul3A_688 = arith.muli %add3A_682, %mul3A_687 : vector<16xi32>
      %ge3A = arith.constant 0 : i32
      %ge3A_689 = vector.broadcast %ge3A : i32 to vector<16xi32>
      %ge3A_690 = arith.cmpi sge, %sub3A_679, %ge3A_689 : vector<16xi32>
      %lt3A_691 = arith.constant 32 : i32
      %lt3A_692 = vector.broadcast %lt3A_691 : i32 to vector<16xi32>
      %lt3A_693 = arith.cmpi slt, %sub3A_679, %lt3A_692 : vector<16xi32>
      %and3A_694 = arith.andi %ge3A_690, %lt3A_693 : vector<16xi1>
      %ge3A_695 = arith.constant 0 : i32
      %ge3A_696 = vector.broadcast %ge3A_695 : i32 to vector<16xi32>
      %ge3A_697 = arith.cmpi sge, %add3A_682, %ge3A_696 : vector<16xi32>
      %lt3A_698 = arith.constant 32 : i32
      %lt3A_699 = vector.broadcast %lt3A_698 : i32 to vector<16xi32>
      %lt3A_700 = arith.cmpi slt, %add3A_682, %lt3A_699 : vector<16xi32>
      %and3A_701 = arith.andi %ge3A_697, %lt3A_700 : vector<16xi1>
      %add3A_702 = arith.constant 1 : i32
      %add3A_703 = vector.broadcast %add3A_702 : i32 to vector<16xi32>
      %add3A_704 = arith.addi %add3A_667, %add3A_703 : vector<16xi32>
      %gather3A_705 = tpu.vector_load_idx %arg5[%add3A_704] : memref<3072xf32, #tpu.memory_space<vmem>>[vector<16xi32>], vector<16xf32>,
      %mul3A_706 = arith.constant 1.600000e+01 : f32
      %mul3A_707 = vector.broadcast %mul3A_706 : f32 to vector<16xf32>
      %mul3A_708 = arith.mulf %gather3A_705, %mul3A_707 : vector<16xf32>
      %add3A_709 = arith.constant 1.600000e+01 : f32
      %add3A_710 = vector.broadcast %add3A_709 : f32 to vector<16xf32>
      %add3A_711 = arith.addf %mul3A_708, %add3A_710 : vector<16xf32>
      %convert_element_type3A_712 = arith.fptosi %add3A_711 : vector<16xf32> to vector<16xi32>
      %convert_element_type3A_713 = arith.sitofp %convert_element_type3A_712 : vector<16xi32> to vector<16xf32>
      %lt3A_714 = arith.cmpf olt, %add3A_711, %convert_element_type3A_713 : vector<16xf32>
      %convert_element_type3A_715 = arith.extui %lt3A_714 : vector<16xi1> to vector<16xi32>
      %sub3A_716 = arith.subi %convert_element_type3A_712, %convert_element_type3A_715 : vector<16xi32>
      %add3A_717 = arith.constant 1 : i32
      %add3A_718 = vector.broadcast %add3A_717 : i32 to vector<16xi32>
      %add3A_719 = arith.addi %sub3A_716, %add3A_718 : vector<16xi32>
      %mul3A_720 = arith.constant 32 : i32
      %mul3A_721 = vector.broadcast %mul3A_720 : i32 to vector<16xi32>
      %mul3A_722 = arith.muli %sub3A_716, %mul3A_721 : vector<16xi32>
      %mul3A_723 = arith.constant 32 : i32
      %mul3A_724 = vector.broadcast %mul3A_723 : i32 to vector<16xi32>
      %mul3A_725 = arith.muli %add3A_719, %mul3A_724 : vector<16xi32>
      %ge3A_726 = arith.constant 0 : i32
      %ge3A_727 = vector.broadcast %ge3A_726 : i32 to vector<16xi32>
      %ge3A_728 = arith.cmpi sge, %sub3A_716, %ge3A_727 : vector<16xi32>
      %lt3A_729 = arith.constant 32 : i32
      %lt3A_730 = vector.broadcast %lt3A_729 : i32 to vector<16xi32>
      %lt3A_731 = arith.cmpi slt, %sub3A_716, %lt3A_730 : vector<16xi32>
      %and3A_732 = arith.andi %ge3A_728, %lt3A_731 : vector<16xi1>
      %ge3A_733 = arith.constant 0 : i32
      %ge3A_734 = vector.broadcast %ge3A_733 : i32 to vector<16xi32>
      %ge3A_735 = arith.cmpi sge, %add3A_719, %ge3A_734 : vector<16xi32>
      %lt3A_736 = arith.constant 32 : i32
      %lt3A_737 = vector.broadcast %lt3A_736 : i32 to vector<16xi32>
      %lt3A_738 = arith.cmpi slt, %add3A_719, %lt3A_737 : vector<16xi32>
      %and3A_739 = arith.andi %ge3A_735, %lt3A_738 : vector<16xi1>
      %add3A_740 = arith.constant 2 : i32
      %add3A_741 = vector.broadcast %add3A_740 : i32 to vector<16xi32>
      %add3A_742 = arith.addi %add3A_667, %add3A_741 : vector<16xi32>
      %gather3A_743 = tpu.vector_load_idx %arg5[%add3A_742] : memref<3072xf32, #tpu.memory_space<vmem>>[vector<16xi32>], vector<16xf32>,
      %mul3A_744 = arith.constant 1.600000e+01 : f32
      %mul3A_745 = vector.broadcast %mul3A_744 : f32 to vector<16xf32>
      %mul3A_746 = arith.mulf %gather3A_743, %mul3A_745 : vector<16xf32>
      %add3A_747 = arith.constant 1.600000e+01 : f32
      %add3A_748 = vector.broadcast %add3A_747 : f32 to vector<16xf32>
      %add3A_749 = arith.addf %mul3A_746, %add3A_748 : vector<16xf32>
      %convert_element_type3A_750 = arith.fptosi %add3A_749 : vector<16xf32> to vector<16xi32>
      %convert_element_type3A_751 = arith.sitofp %convert_element_type3A_750 : vector<16xi32> to vector<16xf32>
      %lt3A_752 = arith.cmpf olt, %add3A_749, %convert_element_type3A_751 : vector<16xf32>
      %convert_element_type3A_753 = arith.extui %lt3A_752 : vector<16xi1> to vector<16xi32>
      %sub3A_754 = arith.subi %convert_element_type3A_750, %convert_element_type3A_753 : vector<16xi32>
      %add3A_755 = arith.constant 1 : i32
      %add3A_756 = vector.broadcast %add3A_755 : i32 to vector<16xi32>
      %add3A_757 = arith.addi %sub3A_754, %add3A_756 : vector<16xi32>
      %mul3A_758 = arith.constant 1 : i32
      %mul3A_759 = vector.broadcast %mul3A_758 : i32 to vector<16xi32>
      %mul3A_760 = arith.muli %sub3A_754, %mul3A_759 : vector<16xi32>
      %mul3A_761 = arith.constant 1 : i32
      %mul3A_762 = vector.broadcast %mul3A_761 : i32 to vector<16xi32>
      %mul3A_763 = arith.muli %add3A_757, %mul3A_762 : vector<16xi32>
      %ge3A_764 = arith.constant 0 : i32
      %ge3A_765 = vector.broadcast %ge3A_764 : i32 to vector<16xi32>
      %ge3A_766 = arith.cmpi sge, %sub3A_754, %ge3A_765 : vector<16xi32>
      %lt3A_767 = arith.constant 32 : i32
      %lt3A_768 = vector.broadcast %lt3A_767 : i32 to vector<16xi32>
      %lt3A_769 = arith.cmpi slt, %sub3A_754, %lt3A_768 : vector<16xi32>
      %and3A_770 = arith.andi %ge3A_766, %lt3A_769 : vector<16xi1>
      %ge3A_771 = arith.constant 0 : i32
      %ge3A_772 = vector.broadcast %ge3A_771 : i32 to vector<16xi32>
      %ge3A_773 = arith.cmpi sge, %add3A_757, %ge3A_772 : vector<16xi32>
      %lt3A_774 = arith.constant 32 : i32
      %lt3A_775 = vector.broadcast %lt3A_774 : i32 to vector<16xi32>
      %lt3A_776 = arith.cmpi slt, %add3A_757, %lt3A_775 : vector<16xi32>
      %and3A_777 = arith.andi %ge3A_773, %lt3A_776 : vector<16xi1>
      %mul3A_778 = arith.constant 128 : i32
      %mul3A_779 = arith.muli %scan3A_660, %mul3A_778 : i32
      %mul3A_780 = arith.constant 8 : i32
      %mul3A_781 = vector.broadcast %mul3A_780 : i32 to vector<16xi32>
      %mul3A_782 = arith.muli %iota3A, %mul3A_781 : vector<16xi32>
      %add3A_783 = vector.broadcast %mul3A_779 : i32 to vector<16xi32>
      %add3A_784 = arith.addi %add3A_783, %mul3A_782 : vector<16xi32>
      %and3A_785 = arith.andi %and3A_694, %and3A_732 : vector<16xi1>
      %and3A_786 = arith.andi %and3A_785, %and3A_770 : vector<16xi1>
      %add3A_787 = vector.broadcast %mul3A_20 : i32 to vector<16xi32>
      %add3A_788 = arith.addi %add3A_787, %mul3A_685 : vector<16xi32>
      %add3A_789 = arith.addi %add3A_788, %mul3A_722 : vector<16xi32>
      %add3A_790 = arith.addi %add3A_789, %mul3A_760 : vector<16xi32>
      %jit3A_791 = arith.constant 262144 : i32
      %broadcast_in_dim3A = vector.broadcast %jit3A_791 : i32 to vector<16xi32>
      %select_n3A_792 = arith.select %and3A_786, %add3A_790, %broadcast_in_dim3A : vector<16xi1>, vector<16xi32>
      %add3A_793 = arith.constant 0 : i32
      %add3A_794 = vector.broadcast %add3A_793 : i32 to vector<16xi32>
      %add3A_795 = arith.addi %add3A_784, %add3A_794 : vector<16xi32>
      tpu.vector_store_idx %arg6[%add3A_795], %select_n3A_792 : memref<8192xi32, #tpu.memory_space<vmem>>[vector<16xi32>], vector<16xi32>,
      %and3A_796 = arith.andi %and3A_694, %and3A_732 : vector<16xi1>
      %and3A_797 = arith.andi %and3A_796, %and3A_777 : vector<16xi1>
      %add3A_798 = vector.broadcast %mul3A_20 : i32 to vector<16xi32>
      %add3A_799 = arith.addi %add3A_798, %mul3A_685 : vector<16xi32>
      %add3A_800 = arith.addi %add3A_799, %mul3A_722 : vector<16xi32>
      %add3A_801 = arith.addi %add3A_800, %mul3A_763 : vector<16xi32>
      %jit3A_802 = arith.constant 262144 : i32
      %broadcast_in_dim3A_803 = vector.broadcast %jit3A_802 : i32 to vector<16xi32>
      %select_n3A_804 = arith.select %and3A_797, %add3A_801, %broadcast_in_dim3A_803 : vector<16xi1>, vector<16xi32>
      %add3A_805 = arith.constant 1 : i32
      %add3A_806 = vector.broadcast %add3A_805 : i32 to vector<16xi32>
      %add3A_807 = arith.addi %add3A_784, %add3A_806 : vector<16xi32>
      tpu.vector_store_idx %arg6[%add3A_807], %select_n3A_804 : memref<8192xi32, #tpu.memory_space<vmem>>[vector<16xi32>], vector<16xi32>,
      %and3A_808 = arith.andi %and3A_694, %and3A_739 : vector<16xi1>
      %and3A_809 = arith.andi %and3A_808, %and3A_770 : vector<16xi1>
      %add3A_810 = vector.broadcast %mul3A_20 : i32 to vector<16xi32>
      %add3A_811 = arith.addi %add3A_810, %mul3A_685 : vector<16xi32>
      %add3A_812 = arith.addi %add3A_811, %mul3A_725 : vector<16xi32>
      %add3A_813 = arith.addi %add3A_812, %mul3A_760 : vector<16xi32>
      %jit3A_814 = arith.constant 262144 : i32
      %broadcast_in_dim3A_815 = vector.broadcast %jit3A_814 : i32 to vector<16xi32>
      %select_n3A_816 = arith.select %and3A_809, %add3A_813, %broadcast_in_dim3A_815 : vector<16xi1>, vector<16xi32>
      %add3A_817 = arith.constant 2 : i32
      %add3A_818 = vector.broadcast %add3A_817 : i32 to vector<16xi32>
      %add3A_819 = arith.addi %add3A_784, %add3A_818 : vector<16xi32>
      tpu.vector_store_idx %arg6[%add3A_819], %select_n3A_816 : memref<8192xi32, #tpu.memory_space<vmem>>[vector<16xi32>], vector<16xi32>,
      %and3A_820 = arith.andi %and3A_694, %and3A_739 : vector<16xi1>
      %and3A_821 = arith.andi %and3A_820, %and3A_777 : vector<16xi1>
      %add3A_822 = vector.broadcast %mul3A_20 : i32 to vector<16xi32>
      %add3A_823 = arith.addi %add3A_822, %mul3A_685 : vector<16xi32>
      %add3A_824 = arith.addi %add3A_823, %mul3A_725 : vector<16xi32>
      %add3A_825 = arith.addi %add3A_824, %mul3A_763 : vector<16xi32>
      %jit3A_826 = arith.constant 262144 : i32
      %broadcast_in_dim3A_827 = vector.broadcast %jit3A_826 : i32 to vector<16xi32>
      %select_n3A_828 = arith.select %and3A_821, %add3A_825, %broadcast_in_dim3A_827 : vector<16xi1>, vector<16xi32>
      %add3A_829 = arith.constant 3 : i32
      %add3A_830 = vector.broadcast %add3A_829 : i32 to vector<16xi32>
      %add3A_831 = arith.addi %add3A_784, %add3A_830 : vector<16xi32>
      tpu.vector_store_idx %arg6[%add3A_831], %select_n3A_828 : memref<8192xi32, #tpu.memory_space<vmem>>[vector<16xi32>], vector<16xi32>,
      %and3A_832 = arith.andi %and3A_701, %and3A_732 : vector<16xi1>
      %and3A_833 = arith.andi %and3A_832, %and3A_770 : vector<16xi1>
      %add3A_834 = vector.broadcast %mul3A_20 : i32 to vector<16xi32>
      %add3A_835 = arith.addi %add3A_834, %mul3A_688 : vector<16xi32>
      %add3A_836 = arith.addi %add3A_835, %mul3A_722 : vector<16xi32>
      %add3A_837 = arith.addi %add3A_836, %mul3A_760 : vector<16xi32>
      %jit3A_838 = arith.constant 262144 : i32
      %broadcast_in_dim3A_839 = vector.broadcast %jit3A_838 : i32 to vector<16xi32>
      %select_n3A_840 = arith.select %and3A_833, %add3A_837, %broadcast_in_dim3A_839 : vector<16xi1>, vector<16xi32>
      %add3A_841 = arith.constant 4 : i32
      %add3A_842 = vector.broadcast %add3A_841 : i32 to vector<16xi32>
      %add3A_843 = arith.addi %add3A_784, %add3A_842 : vector<16xi32>
      tpu.vector_store_idx %arg6[%add3A_843], %select_n3A_840 : memref<8192xi32, #tpu.memory_space<vmem>>[vector<16xi32>], vector<16xi32>,
      %and3A_844 = arith.andi %and3A_701, %and3A_732 : vector<16xi1>
      %and3A_845 = arith.andi %and3A_844, %and3A_777 : vector<16xi1>
      %add3A_846 = vector.broadcast %mul3A_20 : i32 to vector<16xi32>
      %add3A_847 = arith.addi %add3A_846, %mul3A_688 : vector<16xi32>
      %add3A_848 = arith.addi %add3A_847, %mul3A_722 : vector<16xi32>
      %add3A_849 = arith.addi %add3A_848, %mul3A_763 : vector<16xi32>
      %jit3A_850 = arith.constant 262144 : i32
      %broadcast_in_dim3A_851 = vector.broadcast %jit3A_850 : i32 to vector<16xi32>
      %select_n3A_852 = arith.select %and3A_845, %add3A_849, %broadcast_in_dim3A_851 : vector<16xi1>, vector<16xi32>
      %add3A_853 = arith.constant 5 : i32
      %add3A_854 = vector.broadcast %add3A_853 : i32 to vector<16xi32>
      %add3A_855 = arith.addi %add3A_784, %add3A_854 : vector<16xi32>
      tpu.vector_store_idx %arg6[%add3A_855], %select_n3A_852 : memref<8192xi32, #tpu.memory_space<vmem>>[vector<16xi32>], vector<16xi32>,
      %and3A_856 = arith.andi %and3A_701, %and3A_739 : vector<16xi1>
      %and3A_857 = arith.andi %and3A_856, %and3A_770 : vector<16xi1>
      %add3A_858 = vector.broadcast %mul3A_20 : i32 to vector<16xi32>
      %add3A_859 = arith.addi %add3A_858, %mul3A_688 : vector<16xi32>
      %add3A_860 = arith.addi %add3A_859, %mul3A_725 : vector<16xi32>
      %add3A_861 = arith.addi %add3A_860, %mul3A_760 : vector<16xi32>
      %jit3A_862 = arith.constant 262144 : i32
      %broadcast_in_dim3A_863 = vector.broadcast %jit3A_862 : i32 to vector<16xi32>
      %select_n3A_864 = arith.select %and3A_857, %add3A_861, %broadcast_in_dim3A_863 : vector<16xi1>, vector<16xi32>
      %add3A_865 = arith.constant 6 : i32
      %add3A_866 = vector.broadcast %add3A_865 : i32 to vector<16xi32>
      %add3A_867 = arith.addi %add3A_784, %add3A_866 : vector<16xi32>
      tpu.vector_store_idx %arg6[%add3A_867], %select_n3A_864 : memref<8192xi32, #tpu.memory_space<vmem>>[vector<16xi32>], vector<16xi32>,
      %and3A_868 = arith.andi %and3A_701, %and3A_739 : vector<16xi1>
      %and3A_869 = arith.andi %and3A_868, %and3A_777 : vector<16xi1>
      %add3A_870 = vector.broadcast %mul3A_20 : i32 to vector<16xi32>
      %add3A_871 = arith.addi %add3A_870, %mul3A_688 : vector<16xi32>
      %add3A_872 = arith.addi %add3A_871, %mul3A_725 : vector<16xi32>
      %add3A_873 = arith.addi %add3A_872, %mul3A_763 : vector<16xi32>
      %jit3A_874 = arith.constant 262144 : i32
      %broadcast_in_dim3A_875 = vector.broadcast %jit3A_874 : i32 to vector<16xi32>
      %select_n3A_876 = arith.select %and3A_869, %add3A_873, %broadcast_in_dim3A_875 : vector<16xi1>, vector<16xi32>
      %add3A_877 = arith.constant 7 : i32
      %add3A_878 = vector.broadcast %add3A_877 : i32 to vector<16xi32>
      %add3A_879 = arith.addi %add3A_784, %add3A_878 : vector<16xi32>
      tpu.vector_store_idx %arg6[%add3A_879], %select_n3A_876 : memref<8192xi32, #tpu.memory_space<vmem>>[vector<16xi32>], vector<16xi32>,
    }
    %scan3A_27 = arith.constant 64 : i32
    %mul3A_28 = arith.constant 8192 : i32
    %mul3A_29 = arith.muli %add3A, %mul3A_28 : i32
    %dma_start3A = arith.constant 0 : i32
    %dma_start3A_30 = tpu.memref_slice %arg6[%dma_start3A] : memref<8192xi32, #tpu.memory_space<vmem>> -> memref<256xi32, #tpu.memory_space<vmem>>
    %dma_start3A_31 = arith.constant 0 : i32
    %dma_start3A_32 = arith.constant 0 : i32
    %dma_start3A_33 = tpu.memref_slice %arg3[%dma_start3A_31, %dma_start3A_32] : memref<270336x128xf32, #tpu.memory_space<hbm>> -> memref<270336x128xf32, #tpu.memory_space<hbm>>
    tpu.enqueue_indirect_dma source(%dma_start3A_33 : memref<270336x128xf32, #tpu.memory_space<hbm>>) target(%arg7 : memref<256x128xf32, #tpu.memory_space<vmem>>) offsets(%dma_start3A_30 : memref<256xi32, #tpu.memory_space<vmem>>) semaphore(%arg9 : memref<!tpu.dma_semaphore, #tpu.memory_space<semaphore_mem>>)
    %dma_start3A_34 = arith.constant 256 : i32
    %dma_start3A_35 = tpu.memref_slice %arg6[%dma_start3A_34] : memref<8192xi32, #tpu.memory_space<vmem>> -> memref<256xi32, #tpu.memory_space<vmem>>
    %dma_start3A_36 = arith.constant 0 : i32
    %dma_start3A_37 = arith.constant 0 : i32
    %dma_start3A_38 = tpu.memref_slice %arg3[%dma_start3A_36, %dma_start3A_37] : memref<270336x128xf32, #tpu.memory_space<hbm>> -> memref<270336x128xf32, #tpu.memory_space<hbm>>
    tpu.enqueue_indirect_dma source(%dma_start3A_38 : memref<270336x128xf32, #tpu.memory_space<hbm>>) target(%arg8 : memref<256x128xf32, #tpu.memory_space<vmem>>) offsets(%dma_start3A_35 : memref<256xi32, #tpu.memory_space<vmem>>) semaphore(%arg10 : memref<!tpu.dma_semaphore, #tpu.memory_space<semaphore_mem>>)
    %dma_wait3A = arith.constant 0 : i32
    %dma_wait3A_39 = tpu.memref_slice %arg6[%dma_wait3A] : memref<8192xi32, #tpu.memory_space<vmem>> -> memref<256xi32, #tpu.memory_space<vmem>>
    %dma_wait3A_40 = arith.constant 0 : i32
    %dma_wait3A_41 = arith.constant 0 : i32
    %dma_wait3A_42 = tpu.memref_slice %arg3[%dma_wait3A_40, %dma_wait3A_41] : memref<270336x128xf32, #tpu.memory_space<hbm>> -> memref<270336x128xf32, #tpu.memory_space<hbm>>
    tpu.wait_indirect_dma semaphore(%arg9 : memref<!tpu.dma_semaphore, #tpu.memory_space<semaphore_mem>>) src(%dma_wait3A_42 : memref<270336x128xf32, #tpu.memory_space<hbm>>) dst(%arg7 : memref<256x128xf32, #tpu.memory_space<vmem>>)
    %add3A_43 = arith.constant 0 : i32
    %add3A_44 = arith.addi %mul3A_29, %add3A_43 : i32
    %dma_start3A_45 = arith.constant 0 : i32
    %dma_start3A_46 = tpu.memref_slice %arg4[%add3A_44, %dma_start3A_45] : memref<262144x128xf32, #tpu.memory_space<hbm>> -> memref<256x128xf32, #tpu.memory_space<hbm>>
    %dma_start3A_47 = arith.constant 0 : i32
    %dma_start3A_48 = tpu.memref_slice %arg4[%add3A_44, %dma_start3A_47] : memref<262144x128xf32, #tpu.memory_space<hbm>> -> memref<256x128xf32, #tpu.memory_space<hbm>>
    tpu.enqueue_dma source(%arg7 : memref<256x128xf32, #tpu.memory_space<vmem>>) target(%dma_start3A_48 : memref<256x128xf32, #tpu.memory_space<hbm>>) target_semaphore(%arg11 : memref<!tpu.dma_semaphore, #tpu.memory_space<semaphore_mem>>)
    %dma_wait3A_49 = arith.constant 0 : i32
    %dma_wait3A_50 = tpu.memref_slice %arg4[%add3A_44, %dma_wait3A_49] : memref<262144x128xf32, #tpu.memory_space<hbm>> -> memref<256x128xf32, #tpu.memory_space<hbm>>
    %dma_wait3A_51 = arith.constant 0 : i32
    %dma_wait3A_52 = tpu.memref_slice %arg4[%add3A_44, %dma_wait3A_51] : memref<262144x128xf32, #tpu.memory_space<hbm>> -> memref<256x128xf32, #tpu.memory_space<hbm>>
    tpu.wait_dma2 semaphore(%arg11 : memref<!tpu.dma_semaphore, #tpu.memory_space<semaphore_mem>>) src(%arg7 : memref<256x128xf32, #tpu.memory_space<vmem>>) dst(%dma_wait3A_52 : memref<256x128xf32, #tpu.memory_space<hbm>>)
    %dma_start3A_53 = arith.constant 512 : i32
    %dma_start3A_54 = tpu.memref_slice %arg6[%dma_start3A_53] : memref<8192xi32, #tpu.memory_space<vmem>> -> memref<256xi32, #tpu.memory_space<vmem>>
    %dma_start3A_55 = arith.constant 0 : i32
    %dma_start3A_56 = arith.constant 0 : i32
    %dma_start3A_57 = tpu.memref_slice %arg3[%dma_start3A_55, %dma_start3A_56] : memref<270336x128xf32, #tpu.memory_space<hbm>> -> memref<270336x128xf32, #tpu.memory_space<hbm>>
    tpu.enqueue_indirect_dma source(%dma_start3A_57 : memref<270336x128xf32, #tpu.memory_space<hbm>>) target(%arg7 : memref<256x128xf32, #tpu.memory_space<vmem>>) offsets(%dma_start3A_54 : memref<256xi32, #tpu.memory_space<vmem>>) semaphore(%arg9 : memref<!tpu.dma_semaphore, #tpu.memory_space<semaphore_mem>>)
    %dma_wait3A_58 = arith.constant 256 : i32
    %dma_wait3A_59 = tpu.memref_slice %arg6[%dma_wait3A_58] : memref<8192xi32, #tpu.memory_space<vmem>> -> memref<256xi32, #tpu.memory_space<vmem>>
    %dma_wait3A_60 = arith.constant 0 : i32
    %dma_wait3A_61 = arith.constant 0 : i32
    %dma_wait3A_62 = tpu.memref_slice %arg3[%dma_wait3A_60, %dma_wait3A_61] : memref<270336x128xf32, #tpu.memory_space<hbm>> -> memref<270336x128xf32, #tpu.memory_space<hbm>>
    tpu.wait_indirect_dma semaphore(%arg10 : memref<!tpu.dma_semaphore, #tpu.memory_space<semaphore_mem>>) src(%dma_wait3A_62 : memref<270336x128xf32, #tpu.memory_space<hbm>>) dst(%arg8 : memref<256x128xf32, #tpu.memory_space<vmem>>)
    %add3A_63 = arith.constant 256 : i32
    %add3A_64 = arith.addi %mul3A_29, %add3A_63 : i32
    %dma_start3A_65 = arith.constant 0 : i32
    %dma_start3A_66 = tpu.memref_slice %arg4[%add3A_64, %dma_start3A_65] : memref<262144x128xf32, #tpu.memory_space<hbm>> -> memref<256x128xf32, #tpu.memory_space<hbm>>
    %dma_start3A_67 = arith.constant 0 : i32
    %dma_start3A_68 = tpu.memref_slice %arg4[%add3A_64, %dma_start3A_67] : memref<262144x128xf32, #tpu.memory_space<hbm>> -> memref<256x128xf32, #tpu.memory_space<hbm>>
    tpu.enqueue_dma source(%arg8 : memref<256x128xf32, #tpu.memory_space<vmem>>) target(%dma_start3A_68 : memref<256x128xf32, #tpu.memory_space<hbm>>) target_semaphore(%arg12 : memref<!tpu.dma_semaphore, #tpu.memory_space<semaphore_mem>>)
    %dma_wait3A_69 = arith.constant 0 : i32
    %dma_wait3A_70 = tpu.memref_slice %arg4[%add3A_64, %dma_wait3A_69] : memref<262144x128xf32, #tpu.memory_space<hbm>> -> memref<256x128xf32, #tpu.memory_space<hbm>>
    %dma_wait3A_71 = arith.constant 0 : i32
    %dma_wait3A_72 = tpu.memref_slice %arg4[%add3A_64, %dma_wait3A_71] : memref<262144x128xf32, #tpu.memory_space<hbm>> -> memref<256x128xf32, #tpu.memory_space<hbm>>
    tpu.wait_dma2 semaphore(%arg12 : memref<!tpu.dma_semaphore, #tpu.memory_space<semaphore_mem>>) src(%arg8 : memref<256x128xf32, #tpu.memory_space<vmem>>) dst(%dma_wait3A_72 : memref<256x128xf32, #tpu.memory_space<hbm>>)
    %dma_start3A_73 = arith.constant 768 : i32
    %dma_start3A_74 = tpu.memref_slice %arg6[%dma_start3A_73] : memref<8192xi32, #tpu.memory_space<vmem>> -> memref<256xi32, #tpu.memory_space<vmem>>
    %dma_start3A_75 = arith.constant 0 : i32
    %dma_start3A_76 = arith.constant 0 : i32
    %dma_start3A_77 = tpu.memref_slice %arg3[%dma_start3A_75, %dma_start3A_76] : memref<270336x128xf32, #tpu.memory_space<hbm>> -> memref<270336x128xf32, #tpu.memory_space<hbm>>
    tpu.enqueue_indirect_dma source(%dma_start3A_77 : memref<270336x128xf32, #tpu.memory_space<hbm>>) target(%arg8 : memref<256x128xf32, #tpu.memory_space<vmem>>) offsets(%dma_start3A_74 : memref<256xi32, #tpu.memory_space<vmem>>) semaphore(%arg10 : memref<!tpu.dma_semaphore, #tpu.memory_space<semaphore_mem>>)
    %dma_wait3A_78 = arith.constant 512 : i32
    %dma_wait3A_79 = tpu.memref_slice %arg6[%dma_wait3A_78] : memref<8192xi32, #tpu.memory_space<vmem>> -> memref<256xi32, #tpu.memory_space<vmem>>
    %dma_wait3A_80 = arith.constant 0 : i32
    %dma_wait3A_81 = arith.constant 0 : i32
    %dma_wait3A_82 = tpu.memref_slice %arg3[%dma_wait3A_80, %dma_wait3A_81] : memref<270336x128xf32, #tpu.memory_space<hbm>> -> memref<270336x128xf32, #tpu.memory_space<hbm>>
    tpu.wait_indirect_dma semaphore(%arg9 : memref<!tpu.dma_semaphore, #tpu.memory_space<semaphore_mem>>) src(%dma_wait3A_82 : memref<270336x128xf32, #tpu.memory_space<hbm>>) dst(%arg7 : memref<256x128xf32, #tpu.memory_space<vmem>>)
    %add3A_83 = arith.constant 512 : i32
    %add3A_84 = arith.addi %mul3A_29, %add3A_83 : i32
    %dma_start3A_85 = arith.constant 0 : i32
    %dma_start3A_86 = tpu.memref_slice %arg4[%add3A_84, %dma_start3A_85] : memref<262144x128xf32, #tpu.memory_space<hbm>> -> memref<256x128xf32, #tpu.memory_space<hbm>>
    %dma_start3A_87 = arith.constant 0 : i32
    %dma_start3A_88 = tpu.memref_slice %arg4[%add3A_84, %dma_start3A_87] : memref<262144x128xf32, #tpu.memory_space<hbm>> -> memref<256x128xf32, #tpu.memory_space<hbm>>
    tpu.enqueue_dma source(%arg7 : memref<256x128xf32, #tpu.memory_space<vmem>>) target(%dma_start3A_88 : memref<256x128xf32, #tpu.memory_space<hbm>>) target_semaphore(%arg11 : memref<!tpu.dma_semaphore, #tpu.memory_space<semaphore_mem>>)
    %dma_wait3A_89 = arith.constant 0 : i32
    %dma_wait3A_90 = tpu.memref_slice %arg4[%add3A_84, %dma_wait3A_89] : memref<262144x128xf32, #tpu.memory_space<hbm>> -> memref<256x128xf32, #tpu.memory_space<hbm>>
    %dma_wait3A_91 = arith.constant 0 : i32
    %dma_wait3A_92 = tpu.memref_slice %arg4[%add3A_84, %dma_wait3A_91] : memref<262144x128xf32, #tpu.memory_space<hbm>> -> memref<256x128xf32, #tpu.memory_space<hbm>>
    tpu.wait_dma2 semaphore(%arg11 : memref<!tpu.dma_semaphore, #tpu.memory_space<semaphore_mem>>) src(%arg7 : memref<256x128xf32, #tpu.memory_space<vmem>>) dst(%dma_wait3A_92 : memref<256x128xf32, #tpu.memory_space<hbm>>)
    %dma_start3A_93 = arith.constant 1024 : i32
    %dma_start3A_94 = tpu.memref_slice %arg6[%dma_start3A_93] : memref<8192xi32, #tpu.memory_space<vmem>> -> memref<256xi32, #tpu.memory_space<vmem>>
    %dma_start3A_95 = arith.constant 0 : i32
    %dma_start3A_96 = arith.constant 0 : i32
    %dma_start3A_97 = tpu.memref_slice %arg3[%dma_start3A_95, %dma_start3A_96] : memref<270336x128xf32, #tpu.memory_space<hbm>> -> memref<270336x128xf32, #tpu.memory_space<hbm>>
    tpu.enqueue_indirect_dma source(%dma_start3A_97 : memref<270336x128xf32, #tpu.memory_space<hbm>>) target(%arg7 : memref<256x128xf32, #tpu.memory_space<vmem>>) offsets(%dma_start3A_94 : memref<256xi32, #tpu.memory_space<vmem>>) semaphore(%arg9 : memref<!tpu.dma_semaphore, #tpu.memory_space<semaphore_mem>>)
    %dma_wait3A_98 = arith.constant 768 : i32
    %dma_wait3A_99 = tpu.memref_slice %arg6[%dma_wait3A_98] : memref<8192xi32, #tpu.memory_space<vmem>> -> memref<256xi32, #tpu.memory_space<vmem>>
    %dma_wait3A_100 = arith.constant 0 : i32
    %dma_wait3A_101 = arith.constant 0 : i32
    %dma_wait3A_102 = tpu.memref_slice %arg3[%dma_wait3A_100, %dma_wait3A_101] : memref<270336x128xf32, #tpu.memory_space<hbm>> -> memref<270336x128xf32, #tpu.memory_space<hbm>>
    tpu.wait_indirect_dma semaphore(%arg10 : memref<!tpu.dma_semaphore, #tpu.memory_space<semaphore_mem>>) src(%dma_wait3A_102 : memref<270336x128xf32, #tpu.memory_space<hbm>>) dst(%arg8 : memref<256x128xf32, #tpu.memory_space<vmem>>)
    %add3A_103 = arith.constant 768 : i32
    %add3A_104 = arith.addi %mul3A_29, %add3A_103 : i32
    %dma_start3A_105 = arith.constant 0 : i32
    %dma_start3A_106 = tpu.memref_slice %arg4[%add3A_104, %dma_start3A_105] : memref<262144x128xf32, #tpu.memory_space<hbm>> -> memref<256x128xf32, #tpu.memory_space<hbm>>
    %dma_start3A_107 = arith.constant 0 : i32
    %dma_start3A_108 = tpu.memref_slice %arg4[%add3A_104, %dma_start3A_107] : memref<262144x128xf32, #tpu.memory_space<hbm>> -> memref<256x128xf32, #tpu.memory_space<hbm>>
    tpu.enqueue_dma source(%arg8 : memref<256x128xf32, #tpu.memory_space<vmem>>) target(%dma_start3A_108 : memref<256x128xf32, #tpu.memory_space<hbm>>) target_semaphore(%arg12 : memref<!tpu.dma_semaphore, #tpu.memory_space<semaphore_mem>>)
    %dma_wait3A_109 = arith.constant 0 : i32
    %dma_wait3A_110 = tpu.memref_slice %arg4[%add3A_104, %dma_wait3A_109] : memref<262144x128xf32, #tpu.memory_space<hbm>> -> memref<256x128xf32, #tpu.memory_space<hbm>>
    %dma_wait3A_111 = arith.constant 0 : i32
    %dma_wait3A_112 = tpu.memref_slice %arg4[%add3A_104, %dma_wait3A_111] : memref<262144x128xf32, #tpu.memory_space<hbm>> -> memref<256x128xf32, #tpu.memory_space<hbm>>
    tpu.wait_dma2 semaphore(%arg12 : memref<!tpu.dma_semaphore, #tpu.memory_space<semaphore_mem>>) src(%arg8 : memref<256x128xf32, #tpu.memory_space<vmem>>) dst(%dma_wait3A_112 : memref<256x128xf32, #tpu.memory_space<hbm>>)
    %dma_start3A_113 = arith.constant 1280 : i32
    %dma_start3A_114 = tpu.memref_slice %arg6[%dma_start3A_113] : memref<8192xi32, #tpu.memory_space<vmem>> -> memref<256xi32, #tpu.memory_space<vmem>>
    %dma_start3A_115 = arith.constant 0 : i32
    %dma_start3A_116 = arith.constant 0 : i32
    %dma_start3A_117 = tpu.memref_slice %arg3[%dma_start3A_115, %dma_start3A_116] : memref<270336x128xf32, #tpu.memory_space<hbm>> -> memref<270336x128xf32, #tpu.memory_space<hbm>>
    tpu.enqueue_indirect_dma source(%dma_start3A_117 : memref<270336x128xf32, #tpu.memory_space<hbm>>) target(%arg8 : memref<256x128xf32, #tpu.memory_space<vmem>>) offsets(%dma_start3A_114 : memref<256xi32, #tpu.memory_space<vmem>>) semaphore(%arg10 : memref<!tpu.dma_semaphore, #tpu.memory_space<semaphore_mem>>)
    %dma_wait3A_118 = arith.constant 1024 : i32
    %dma_wait3A_119 = tpu.memref_slice %arg6[%dma_wait3A_118] : memref<8192xi32, #tpu.memory_space<vmem>> -> memref<256xi32, #tpu.memory_space<vmem>>
    %dma_wait3A_120 = arith.constant 0 : i32
    %dma_wait3A_121 = arith.constant 0 : i32
    %dma_wait3A_122 = tpu.memref_slice %arg3[%dma_wait3A_120, %dma_wait3A_121] : memref<270336x128xf32, #tpu.memory_space<hbm>> -> memref<270336x128xf32, #tpu.memory_space<hbm>>
    tpu.wait_indirect_dma semaphore(%arg9 : memref<!tpu.dma_semaphore, #tpu.memory_space<semaphore_mem>>) src(%dma_wait3A_122 : memref<270336x128xf32, #tpu.memory_space<hbm>>) dst(%arg7 : memref<256x128xf32, #tpu.memory_space<vmem>>)
    %add3A_123 = arith.constant 1024 : i32
    %add3A_124 = arith.addi %mul3A_29, %add3A_123 : i32
    %dma_start3A_125 = arith.constant 0 : i32
    %dma_start3A_126 = tpu.memref_slice %arg4[%add3A_124, %dma_start3A_125] : memref<262144x128xf32, #tpu.memory_space<hbm>> -> memref<256x128xf32, #tpu.memory_space<hbm>>
    %dma_start3A_127 = arith.constant 0 : i32
    %dma_start3A_128 = tpu.memref_slice %arg4[%add3A_124, %dma_start3A_127] : memref<262144x128xf32, #tpu.memory_space<hbm>> -> memref<256x128xf32, #tpu.memory_space<hbm>>
    tpu.enqueue_dma source(%arg7 : memref<256x128xf32, #tpu.memory_space<vmem>>) target(%dma_start3A_128 : memref<256x128xf32, #tpu.memory_space<hbm>>) target_semaphore(%arg11 : memref<!tpu.dma_semaphore, #tpu.memory_space<semaphore_mem>>)
    %dma_wait3A_129 = arith.constant 0 : i32
    %dma_wait3A_130 = tpu.memref_slice %arg4[%add3A_124, %dma_wait3A_129] : memref<262144x128xf32, #tpu.memory_space<hbm>> -> memref<256x128xf32, #tpu.memory_space<hbm>>
    %dma_wait3A_131 = arith.constant 0 : i32
    %dma_wait3A_132 = tpu.memref_slice %arg4[%add3A_124, %dma_wait3A_131] : memref<262144x128xf32, #tpu.memory_space<hbm>> -> memref<256x128xf32, #tpu.memory_space<hbm>>
    tpu.wait_dma2 semaphore(%arg11 : memref<!tpu.dma_semaphore, #tpu.memory_space<semaphore_mem>>) src(%arg7 : memref<256x128xf32, #tpu.memory_space<vmem>>) dst(%dma_wait3A_132 : memref<256x128xf32, #tpu.memory_space<hbm>>)
    %dma_start3A_133 = arith.constant 1536 : i32
    %dma_start3A_134 = tpu.memref_slice %arg6[%dma_start3A_133] : memref<8192xi32, #tpu.memory_space<vmem>> -> memref<256xi32, #tpu.memory_space<vmem>>
    %dma_start3A_135 = arith.constant 0 : i32
    %dma_start3A_136 = arith.constant 0 : i32
    %dma_start3A_137 = tpu.memref_slice %arg3[%dma_start3A_135, %dma_start3A_136] : memref<270336x128xf32, #tpu.memory_space<hbm>> -> memref<270336x128xf32, #tpu.memory_space<hbm>>
    tpu.enqueue_indirect_dma source(%dma_start3A_137 : memref<270336x128xf32, #tpu.memory_space<hbm>>) target(%arg7 : memref<256x128xf32, #tpu.memory_space<vmem>>) offsets(%dma_start3A_134 : memref<256xi32, #tpu.memory_space<vmem>>) semaphore(%arg9 : memref<!tpu.dma_semaphore, #tpu.memory_space<semaphore_mem>>)
    %dma_wait3A_138 = arith.constant 1280 : i32
    %dma_wait3A_139 = tpu.memref_slice %arg6[%dma_wait3A_138] : memref<8192xi32, #tpu.memory_space<vmem>> -> memref<256xi32, #tpu.memory_space<vmem>>
    %dma_wait3A_140 = arith.constant 0 : i32
    %dma_wait3A_141 = arith.constant 0 : i32
    %dma_wait3A_142 = tpu.memref_slice %arg3[%dma_wait3A_140, %dma_wait3A_141] : memref<270336x128xf32, #tpu.memory_space<hbm>> -> memref<270336x128xf32, #tpu.memory_space<hbm>>
    tpu.wait_indirect_dma semaphore(%arg10 : memref<!tpu.dma_semaphore, #tpu.memory_space<semaphore_mem>>) src(%dma_wait3A_142 : memref<270336x128xf32, #tpu.memory_space<hbm>>) dst(%arg8 : memref<256x128xf32, #tpu.memory_space<vmem>>)
    %add3A_143 = arith.constant 1280 : i32
    %add3A_144 = arith.addi %mul3A_29, %add3A_143 : i32
    %dma_start3A_145 = arith.constant 0 : i32
    %dma_start3A_146 = tpu.memref_slice %arg4[%add3A_144, %dma_start3A_145] : memref<262144x128xf32, #tpu.memory_space<hbm>> -> memref<256x128xf32, #tpu.memory_space<hbm>>
    %dma_start3A_147 = arith.constant 0 : i32
    %dma_start3A_148 = tpu.memref_slice %arg4[%add3A_144, %dma_start3A_147] : memref<262144x128xf32, #tpu.memory_space<hbm>> -> memref<256x128xf32, #tpu.memory_space<hbm>>
    tpu.enqueue_dma source(%arg8 : memref<256x128xf32, #tpu.memory_space<vmem>>) target(%dma_start3A_148 : memref<256x128xf32, #tpu.memory_space<hbm>>) target_semaphore(%arg12 : memref<!tpu.dma_semaphore, #tpu.memory_space<semaphore_mem>>)
    %dma_wait3A_149 = arith.constant 0 : i32
    %dma_wait3A_150 = tpu.memref_slice %arg4[%add3A_144, %dma_wait3A_149] : memref<262144x128xf32, #tpu.memory_space<hbm>> -> memref<256x128xf32, #tpu.memory_space<hbm>>
    %dma_wait3A_151 = arith.constant 0 : i32
    %dma_wait3A_152 = tpu.memref_slice %arg4[%add3A_144, %dma_wait3A_151] : memref<262144x128xf32, #tpu.memory_space<hbm>> -> memref<256x128xf32, #tpu.memory_space<hbm>>
    tpu.wait_dma2 semaphore(%arg12 : memref<!tpu.dma_semaphore, #tpu.memory_space<semaphore_mem>>) src(%arg8 : memref<256x128xf32, #tpu.memory_space<vmem>>) dst(%dma_wait3A_152 : memref<256x128xf32, #tpu.memory_space<hbm>>)
    %dma_start3A_153 = arith.constant 1792 : i32
    %dma_start3A_154 = tpu.memref_slice %arg6[%dma_start3A_153] : memref<8192xi32, #tpu.memory_space<vmem>> -> memref<256xi32, #tpu.memory_space<vmem>>
    %dma_start3A_155 = arith.constant 0 : i32
    %dma_start3A_156 = arith.constant 0 : i32
    %dma_start3A_157 = tpu.memref_slice %arg3[%dma_start3A_155, %dma_start3A_156] : memref<270336x128xf32, #tpu.memory_space<hbm>> -> memref<270336x128xf32, #tpu.memory_space<hbm>>
    tpu.enqueue_indirect_dma source(%dma_start3A_157 : memref<270336x128xf32, #tpu.memory_space<hbm>>) target(%arg8 : memref<256x128xf32, #tpu.memory_space<vmem>>) offsets(%dma_start3A_154 : memref<256xi32, #tpu.memory_space<vmem>>) semaphore(%arg10 : memref<!tpu.dma_semaphore, #tpu.memory_space<semaphore_mem>>)
    %dma_wait3A_158 = arith.constant 1536 : i32
    %dma_wait3A_159 = tpu.memref_slice %arg6[%dma_wait3A_158] : memref<8192xi32, #tpu.memory_space<vmem>> -> memref<256xi32, #tpu.memory_space<vmem>>
    %dma_wait3A_160 = arith.constant 0 : i32
    %dma_wait3A_161 = arith.constant 0 : i32
    %dma_wait3A_162 = tpu.memref_slice %arg3[%dma_wait3A_160, %dma_wait3A_161] : memref<270336x128xf32, #tpu.memory_space<hbm>> -> memref<270336x128xf32, #tpu.memory_space<hbm>>
    tpu.wait_indirect_dma semaphore(%arg9 : memref<!tpu.dma_semaphore, #tpu.memory_space<semaphore_mem>>) src(%dma_wait3A_162 : memref<270336x128xf32, #tpu.memory_space<hbm>>) dst(%arg7 : memref<256x128xf32, #tpu.memory_space<vmem>>)
    %add3A_163 = arith.constant 1536 : i32
    %add3A_164 = arith.addi %mul3A_29, %add3A_163 : i32
    %dma_start3A_165 = arith.constant 0 : i32
    %dma_start3A_166 = tpu.memref_slice %arg4[%add3A_164, %dma_start3A_165] : memref<262144x128xf32, #tpu.memory_space<hbm>> -> memref<256x128xf32, #tpu.memory_space<hbm>>
    %dma_start3A_167 = arith.constant 0 : i32
    %dma_start3A_168 = tpu.memref_slice %arg4[%add3A_164, %dma_start3A_167] : memref<262144x128xf32, #tpu.memory_space<hbm>> -> memref<256x128xf32, #tpu.memory_space<hbm>>
    tpu.enqueue_dma source(%arg7 : memref<256x128xf32, #tpu.memory_space<vmem>>) target(%dma_start3A_168 : memref<256x128xf32, #tpu.memory_space<hbm>>) target_semaphore(%arg11 : memref<!tpu.dma_semaphore, #tpu.memory_space<semaphore_mem>>)
    %dma_wait3A_169 = arith.constant 0 : i32
    %dma_wait3A_170 = tpu.memref_slice %arg4[%add3A_164, %dma_wait3A_169] : memref<262144x128xf32, #tpu.memory_space<hbm>> -> memref<256x128xf32, #tpu.memory_space<hbm>>
    %dma_wait3A_171 = arith.constant 0 : i32
    %dma_wait3A_172 = tpu.memref_slice %arg4[%add3A_164, %dma_wait3A_171] : memref<262144x128xf32, #tpu.memory_space<hbm>> -> memref<256x128xf32, #tpu.memory_space<hbm>>
    tpu.wait_dma2 semaphore(%arg11 : memref<!tpu.dma_semaphore, #tpu.memory_space<semaphore_mem>>) src(%arg7 : memref<256x128xf32, #tpu.memory_space<vmem>>) dst(%dma_wait3A_172 : memref<256x128xf32, #tpu.memory_space<hbm>>)
    %dma_start3A_173 = arith.constant 2048 : i32
    %dma_start3A_174 = tpu.memref_slice %arg6[%dma_start3A_173] : memref<8192xi32, #tpu.memory_space<vmem>> -> memref<256xi32, #tpu.memory_space<vmem>>
    %dma_start3A_175 = arith.constant 0 : i32
    %dma_start3A_176 = arith.constant 0 : i32
    %dma_start3A_177 = tpu.memref_slice %arg3[%dma_start3A_175, %dma_start3A_176] : memref<270336x128xf32, #tpu.memory_space<hbm>> -> memref<270336x128xf32, #tpu.memory_space<hbm>>
    tpu.enqueue_indirect_dma source(%dma_start3A_177 : memref<270336x128xf32, #tpu.memory_space<hbm>>) target(%arg7 : memref<256x128xf32, #tpu.memory_space<vmem>>) offsets(%dma_start3A_174 : memref<256xi32, #tpu.memory_space<vmem>>) semaphore(%arg9 : memref<!tpu.dma_semaphore, #tpu.memory_space<semaphore_mem>>)
    %dma_wait3A_178 = arith.constant 1792 : i32
    %dma_wait3A_179 = tpu.memref_slice %arg6[%dma_wait3A_178] : memref<8192xi32, #tpu.memory_space<vmem>> -> memref<256xi32, #tpu.memory_space<vmem>>
    %dma_wait3A_180 = arith.constant 0 : i32
    %dma_wait3A_181 = arith.constant 0 : i32
    %dma_wait3A_182 = tpu.memref_slice %arg3[%dma_wait3A_180, %dma_wait3A_181] : memref<270336x128xf32, #tpu.memory_space<hbm>> -> memref<270336x128xf32, #tpu.memory_space<hbm>>
    tpu.wait_indirect_dma semaphore(%arg10 : memref<!tpu.dma_semaphore, #tpu.memory_space<semaphore_mem>>) src(%dma_wait3A_182 : memref<270336x128xf32, #tpu.memory_space<hbm>>) dst(%arg8 : memref<256x128xf32, #tpu.memory_space<vmem>>)
    %add3A_183 = arith.constant 1792 : i32
    %add3A_184 = arith.addi %mul3A_29, %add3A_183 : i32
    %dma_start3A_185 = arith.constant 0 : i32
    %dma_start3A_186 = tpu.memref_slice %arg4[%add3A_184, %dma_start3A_185] : memref<262144x128xf32, #tpu.memory_space<hbm>> -> memref<256x128xf32, #tpu.memory_space<hbm>>
    %dma_start3A_187 = arith.constant 0 : i32
    %dma_start3A_188 = tpu.memref_slice %arg4[%add3A_184, %dma_start3A_187] : memref<262144x128xf32, #tpu.memory_space<hbm>> -> memref<256x128xf32, #tpu.memory_space<hbm>>
    tpu.enqueue_dma source(%arg8 : memref<256x128xf32, #tpu.memory_space<vmem>>) target(%dma_start3A_188 : memref<256x128xf32, #tpu.memory_space<hbm>>) target_semaphore(%arg12 : memref<!tpu.dma_semaphore, #tpu.memory_space<semaphore_mem>>)
    %dma_wait3A_189 = arith.constant 0 : i32
    %dma_wait3A_190 = tpu.memref_slice %arg4[%add3A_184, %dma_wait3A_189] : memref<262144x128xf32, #tpu.memory_space<hbm>> -> memref<256x128xf32, #tpu.memory_space<hbm>>
    %dma_wait3A_191 = arith.constant 0 : i32
    %dma_wait3A_192 = tpu.memref_slice %arg4[%add3A_184, %dma_wait3A_191] : memref<262144x128xf32, #tpu.memory_space<hbm>> -> memref<256x128xf32, #tpu.memory_space<hbm>>
    tpu.wait_dma2 semaphore(%arg12 : memref<!tpu.dma_semaphore, #tpu.memory_space<semaphore_mem>>) src(%arg8 : memref<256x128xf32, #tpu.memory_space<vmem>>) dst(%dma_wait3A_192 : memref<256x128xf32, #tpu.memory_space<hbm>>)
    %dma_start3A_193 = arith.constant 2304 : i32
    %dma_start3A_194 = tpu.memref_slice %arg6[%dma_start3A_193] : memref<8192xi32, #tpu.memory_space<vmem>> -> memref<256xi32, #tpu.memory_space<vmem>>
    %dma_start3A_195 = arith.constant 0 : i32
    %dma_start3A_196 = arith.constant 0 : i32
    %dma_start3A_197 = tpu.memref_slice %arg3[%dma_start3A_195, %dma_start3A_196] : memref<270336x128xf32, #tpu.memory_space<hbm>> -> memref<270336x128xf32, #tpu.memory_space<hbm>>
    tpu.enqueue_indirect_dma source(%dma_start3A_197 : memref<270336x128xf32, #tpu.memory_space<hbm>>) target(%arg8 : memref<256x128xf32, #tpu.memory_space<vmem>>) offsets(%dma_start3A_194 : memref<256xi32, #tpu.memory_space<vmem>>) semaphore(%arg10 : memref<!tpu.dma_semaphore, #tpu.memory_space<semaphore_mem>>)
    %dma_wait3A_198 = arith.constant 2048 : i32
    %dma_wait3A_199 = tpu.memref_slice %arg6[%dma_wait3A_198] : memref<8192xi32, #tpu.memory_space<vmem>> -> memref<256xi32, #tpu.memory_space<vmem>>
    %dma_wait3A_200 = arith.constant 0 : i32
    %dma_wait3A_201 = arith.constant 0 : i32
    %dma_wait3A_202 = tpu.memref_slice %arg3[%dma_wait3A_200, %dma_wait3A_201] : memref<270336x128xf32, #tpu.memory_space<hbm>> -> memref<270336x128xf32, #tpu.memory_space<hbm>>
    tpu.wait_indirect_dma semaphore(%arg9 : memref<!tpu.dma_semaphore, #tpu.memory_space<semaphore_mem>>) src(%dma_wait3A_202 : memref<270336x128xf32, #tpu.memory_space<hbm>>) dst(%arg7 : memref<256x128xf32, #tpu.memory_space<vmem>>)
    %add3A_203 = arith.constant 2048 : i32
    %add3A_204 = arith.addi %mul3A_29, %add3A_203 : i32
    %dma_start3A_205 = arith.constant 0 : i32
    %dma_start3A_206 = tpu.memref_slice %arg4[%add3A_204, %dma_start3A_205] : memref<262144x128xf32, #tpu.memory_space<hbm>> -> memref<256x128xf32, #tpu.memory_space<hbm>>
    %dma_start3A_207 = arith.constant 0 : i32
    %dma_start3A_208 = tpu.memref_slice %arg4[%add3A_204, %dma_start3A_207] : memref<262144x128xf32, #tpu.memory_space<hbm>> -> memref<256x128xf32, #tpu.memory_space<hbm>>
    tpu.enqueue_dma source(%arg7 : memref<256x128xf32, #tpu.memory_space<vmem>>) target(%dma_start3A_208 : memref<256x128xf32, #tpu.memory_space<hbm>>) target_semaphore(%arg11 : memref<!tpu.dma_semaphore, #tpu.memory_space<semaphore_mem>>)
    %dma_wait3A_209 = arith.constant 0 : i32
    %dma_wait3A_210 = tpu.memref_slice %arg4[%add3A_204, %dma_wait3A_209] : memref<262144x128xf32, #tpu.memory_space<hbm>> -> memref<256x128xf32, #tpu.memory_space<hbm>>
    %dma_wait3A_211 = arith.constant 0 : i32
    %dma_wait3A_212 = tpu.memref_slice %arg4[%add3A_204, %dma_wait3A_211] : memref<262144x128xf32, #tpu.memory_space<hbm>> -> memref<256x128xf32, #tpu.memory_space<hbm>>
    tpu.wait_dma2 semaphore(%arg11 : memref<!tpu.dma_semaphore, #tpu.memory_space<semaphore_mem>>) src(%arg7 : memref<256x128xf32, #tpu.memory_space<vmem>>) dst(%dma_wait3A_212 : memref<256x128xf32, #tpu.memory_space<hbm>>)
    %dma_start3A_213 = arith.constant 2560 : i32
    %dma_start3A_214 = tpu.memref_slice %arg6[%dma_start3A_213] : memref<8192xi32, #tpu.memory_space<vmem>> -> memref<256xi32, #tpu.memory_space<vmem>>
    %dma_start3A_215 = arith.constant 0 : i32
    %dma_start3A_216 = arith.constant 0 : i32
    %dma_start3A_217 = tpu.memref_slice %arg3[%dma_start3A_215, %dma_start3A_216] : memref<270336x128xf32, #tpu.memory_space<hbm>> -> memref<270336x128xf32, #tpu.memory_space<hbm>>
    tpu.enqueue_indirect_dma source(%dma_start3A_217 : memref<270336x128xf32, #tpu.memory_space<hbm>>) target(%arg7 : memref<256x128xf32, #tpu.memory_space<vmem>>) offsets(%dma_start3A_214 : memref<256xi32, #tpu.memory_space<vmem>>) semaphore(%arg9 : memref<!tpu.dma_semaphore, #tpu.memory_space<semaphore_mem>>)
    %dma_wait3A_218 = arith.constant 2304 : i32
    %dma_wait3A_219 = tpu.memref_slice %arg6[%dma_wait3A_218] : memref<8192xi32, #tpu.memory_space<vmem>> -> memref<256xi32, #tpu.memory_space<vmem>>
    %dma_wait3A_220 = arith.constant 0 : i32
    %dma_wait3A_221 = arith.constant 0 : i32
    %dma_wait3A_222 = tpu.memref_slice %arg3[%dma_wait3A_220, %dma_wait3A_221] : memref<270336x128xf32, #tpu.memory_space<hbm>> -> memref<270336x128xf32, #tpu.memory_space<hbm>>
    tpu.wait_indirect_dma semaphore(%arg10 : memref<!tpu.dma_semaphore, #tpu.memory_space<semaphore_mem>>) src(%dma_wait3A_222 : memref<270336x128xf32, #tpu.memory_space<hbm>>) dst(%arg8 : memref<256x128xf32, #tpu.memory_space<vmem>>)
    %add3A_223 = arith.constant 2304 : i32
    %add3A_224 = arith.addi %mul3A_29, %add3A_223 : i32
    %dma_start3A_225 = arith.constant 0 : i32
    %dma_start3A_226 = tpu.memref_slice %arg4[%add3A_224, %dma_start3A_225] : memref<262144x128xf32, #tpu.memory_space<hbm>> -> memref<256x128xf32, #tpu.memory_space<hbm>>
    %dma_start3A_227 = arith.constant 0 : i32
    %dma_start3A_228 = tpu.memref_slice %arg4[%add3A_224, %dma_start3A_227] : memref<262144x128xf32, #tpu.memory_space<hbm>> -> memref<256x128xf32, #tpu.memory_space<hbm>>
    tpu.enqueue_dma source(%arg8 : memref<256x128xf32, #tpu.memory_space<vmem>>) target(%dma_start3A_228 : memref<256x128xf32, #tpu.memory_space<hbm>>) target_semaphore(%arg12 : memref<!tpu.dma_semaphore, #tpu.memory_space<semaphore_mem>>)
    %dma_wait3A_229 = arith.constant 0 : i32
    %dma_wait3A_230 = tpu.memref_slice %arg4[%add3A_224, %dma_wait3A_229] : memref<262144x128xf32, #tpu.memory_space<hbm>> -> memref<256x128xf32, #tpu.memory_space<hbm>>
    %dma_wait3A_231 = arith.constant 0 : i32
    %dma_wait3A_232 = tpu.memref_slice %arg4[%add3A_224, %dma_wait3A_231] : memref<262144x128xf32, #tpu.memory_space<hbm>> -> memref<256x128xf32, #tpu.memory_space<hbm>>
    tpu.wait_dma2 semaphore(%arg12 : memref<!tpu.dma_semaphore, #tpu.memory_space<semaphore_mem>>) src(%arg8 : memref<256x128xf32, #tpu.memory_space<vmem>>) dst(%dma_wait3A_232 : memref<256x128xf32, #tpu.memory_space<hbm>>)
    %dma_start3A_233 = arith.constant 2816 : i32
    %dma_start3A_234 = tpu.memref_slice %arg6[%dma_start3A_233] : memref<8192xi32, #tpu.memory_space<vmem>> -> memref<256xi32, #tpu.memory_space<vmem>>
    %dma_start3A_235 = arith.constant 0 : i32
    %dma_start3A_236 = arith.constant 0 : i32
    %dma_start3A_237 = tpu.memref_slice %arg3[%dma_start3A_235, %dma_start3A_236] : memref<270336x128xf32, #tpu.memory_space<hbm>> -> memref<270336x128xf32, #tpu.memory_space<hbm>>
    tpu.enqueue_indirect_dma source(%dma_start3A_237 : memref<270336x128xf32, #tpu.memory_space<hbm>>) target(%arg8 : memref<256x128xf32, #tpu.memory_space<vmem>>) offsets(%dma_start3A_234 : memref<256xi32, #tpu.memory_space<vmem>>) semaphore(%arg10 : memref<!tpu.dma_semaphore, #tpu.memory_space<semaphore_mem>>)
    %dma_wait3A_238 = arith.constant 2560 : i32
    %dma_wait3A_239 = tpu.memref_slice %arg6[%dma_wait3A_238] : memref<8192xi32, #tpu.memory_space<vmem>> -> memref<256xi32, #tpu.memory_space<vmem>>
    %dma_wait3A_240 = arith.constant 0 : i32
    %dma_wait3A_241 = arith.constant 0 : i32
    %dma_wait3A_242 = tpu.memref_slice %arg3[%dma_wait3A_240, %dma_wait3A_241] : memref<270336x128xf32, #tpu.memory_space<hbm>> -> memref<270336x128xf32, #tpu.memory_space<hbm>>
    tpu.wait_indirect_dma semaphore(%arg9 : memref<!tpu.dma_semaphore, #tpu.memory_space<semaphore_mem>>) src(%dma_wait3A_242 : memref<270336x128xf32, #tpu.memory_space<hbm>>) dst(%arg7 : memref<256x128xf32, #tpu.memory_space<vmem>>)
    %add3A_243 = arith.constant 2560 : i32
    %add3A_244 = arith.addi %mul3A_29, %add3A_243 : i32
    %dma_start3A_245 = arith.constant 0 : i32
    %dma_start3A_246 = tpu.memref_slice %arg4[%add3A_244, %dma_start3A_245] : memref<262144x128xf32, #tpu.memory_space<hbm>> -> memref<256x128xf32, #tpu.memory_space<hbm>>
    %dma_start3A_247 = arith.constant 0 : i32
    %dma_start3A_248 = tpu.memref_slice %arg4[%add3A_244, %dma_start3A_247] : memref<262144x128xf32, #tpu.memory_space<hbm>> -> memref<256x128xf32, #tpu.memory_space<hbm>>
    tpu.enqueue_dma source(%arg7 : memref<256x128xf32, #tpu.memory_space<vmem>>) target(%dma_start3A_248 : memref<256x128xf32, #tpu.memory_space<hbm>>) target_semaphore(%arg11 : memref<!tpu.dma_semaphore, #tpu.memory_space<semaphore_mem>>)
    %dma_wait3A_249 = arith.constant 0 : i32
    %dma_wait3A_250 = tpu.memref_slice %arg4[%add3A_244, %dma_wait3A_249] : memref<262144x128xf32, #tpu.memory_space<hbm>> -> memref<256x128xf32, #tpu.memory_space<hbm>>
    %dma_wait3A_251 = arith.constant 0 : i32
    %dma_wait3A_252 = tpu.memref_slice %arg4[%add3A_244, %dma_wait3A_251] : memref<262144x128xf32, #tpu.memory_space<hbm>> -> memref<256x128xf32, #tpu.memory_space<hbm>>
    tpu.wait_dma2 semaphore(%arg11 : memref<!tpu.dma_semaphore, #tpu.memory_space<semaphore_mem>>) src(%arg7 : memref<256x128xf32, #tpu.memory_space<vmem>>) dst(%dma_wait3A_252 : memref<256x128xf32, #tpu.memory_space<hbm>>)
    %dma_start3A_253 = arith.constant 3072 : i32
    %dma_start3A_254 = tpu.memref_slice %arg6[%dma_start3A_253] : memref<8192xi32, #tpu.memory_space<vmem>> -> memref<256xi32, #tpu.memory_space<vmem>>
    %dma_start3A_255 = arith.constant 0 : i32
    %dma_start3A_256 = arith.constant 0 : i32
    %dma_start3A_257 = tpu.memref_slice %arg3[%dma_start3A_255, %dma_start3A_256] : memref<270336x128xf32, #tpu.memory_space<hbm>> -> memref<270336x128xf32, #tpu.memory_space<hbm>>
    tpu.enqueue_indirect_dma source(%dma_start3A_257 : memref<270336x128xf32, #tpu.memory_space<hbm>>) target(%arg7 : memref<256x128xf32, #tpu.memory_space<vmem>>) offsets(%dma_start3A_254 : memref<256xi32, #tpu.memory_space<vmem>>) semaphore(%arg9 : memref<!tpu.dma_semaphore, #tpu.memory_space<semaphore_mem>>)
    %dma_wait3A_258 = arith.constant 2816 : i32
    %dma_wait3A_259 = tpu.memref_slice %arg6[%dma_wait3A_258] : memref<8192xi32, #tpu.memory_space<vmem>> -> memref<256xi32, #tpu.memory_space<vmem>>
    %dma_wait3A_260 = arith.constant 0 : i32
    %dma_wait3A_261 = arith.constant 0 : i32
    %dma_wait3A_262 = tpu.memref_slice %arg3[%dma_wait3A_260, %dma_wait3A_261] : memref<270336x128xf32, #tpu.memory_space<hbm>> -> memref<270336x128xf32, #tpu.memory_space<hbm>>
    tpu.wait_indirect_dma semaphore(%arg10 : memref<!tpu.dma_semaphore, #tpu.memory_space<semaphore_mem>>) src(%dma_wait3A_262 : memref<270336x128xf32, #tpu.memory_space<hbm>>) dst(%arg8 : memref<256x128xf32, #tpu.memory_space<vmem>>)
    %add3A_263 = arith.constant 2816 : i32
    %add3A_264 = arith.addi %mul3A_29, %add3A_263 : i32
    %dma_start3A_265 = arith.constant 0 : i32
    %dma_start3A_266 = tpu.memref_slice %arg4[%add3A_264, %dma_start3A_265] : memref<262144x128xf32, #tpu.memory_space<hbm>> -> memref<256x128xf32, #tpu.memory_space<hbm>>
    %dma_start3A_267 = arith.constant 0 : i32
    %dma_start3A_268 = tpu.memref_slice %arg4[%add3A_264, %dma_start3A_267] : memref<262144x128xf32, #tpu.memory_space<hbm>> -> memref<256x128xf32, #tpu.memory_space<hbm>>
    tpu.enqueue_dma source(%arg8 : memref<256x128xf32, #tpu.memory_space<vmem>>) target(%dma_start3A_268 : memref<256x128xf32, #tpu.memory_space<hbm>>) target_semaphore(%arg12 : memref<!tpu.dma_semaphore, #tpu.memory_space<semaphore_mem>>)
    %dma_wait3A_269 = arith.constant 0 : i32
    %dma_wait3A_270 = tpu.memref_slice %arg4[%add3A_264, %dma_wait3A_269] : memref<262144x128xf32, #tpu.memory_space<hbm>> -> memref<256x128xf32, #tpu.memory_space<hbm>>
    %dma_wait3A_271 = arith.constant 0 : i32
    %dma_wait3A_272 = tpu.memref_slice %arg4[%add3A_264, %dma_wait3A_271] : memref<262144x128xf32, #tpu.memory_space<hbm>> -> memref<256x128xf32, #tpu.memory_space<hbm>>
    tpu.wait_dma2 semaphore(%arg12 : memref<!tpu.dma_semaphore, #tpu.memory_space<semaphore_mem>>) src(%arg8 : memref<256x128xf32, #tpu.memory_space<vmem>>) dst(%dma_wait3A_272 : memref<256x128xf32, #tpu.memory_space<hbm>>)
    %dma_start3A_273 = arith.constant 3328 : i32
    %dma_start3A_274 = tpu.memref_slice %arg6[%dma_start3A_273] : memref<8192xi32, #tpu.memory_space<vmem>> -> memref<256xi32, #tpu.memory_space<vmem>>
    %dma_start3A_275 = arith.constant 0 : i32
    %dma_start3A_276 = arith.constant 0 : i32
    %dma_start3A_277 = tpu.memref_slice %arg3[%dma_start3A_275, %dma_start3A_276] : memref<270336x128xf32, #tpu.memory_space<hbm>> -> memref<270336x128xf32, #tpu.memory_space<hbm>>
    tpu.enqueue_indirect_dma source(%dma_start3A_277 : memref<270336x128xf32, #tpu.memory_space<hbm>>) target(%arg8 : memref<256x128xf32, #tpu.memory_space<vmem>>) offsets(%dma_start3A_274 : memref<256xi32, #tpu.memory_space<vmem>>) semaphore(%arg10 : memref<!tpu.dma_semaphore, #tpu.memory_space<semaphore_mem>>)
    %dma_wait3A_278 = arith.constant 3072 : i32
    %dma_wait3A_279 = tpu.memref_slice %arg6[%dma_wait3A_278] : memref<8192xi32, #tpu.memory_space<vmem>> -> memref<256xi32, #tpu.memory_space<vmem>>
    %dma_wait3A_280 = arith.constant 0 : i32
    %dma_wait3A_281 = arith.constant 0 : i32
    %dma_wait3A_282 = tpu.memref_slice %arg3[%dma_wait3A_280, %dma_wait3A_281] : memref<270336x128xf32, #tpu.memory_space<hbm>> -> memref<270336x128xf32, #tpu.memory_space<hbm>>
    tpu.wait_indirect_dma semaphore(%arg9 : memref<!tpu.dma_semaphore, #tpu.memory_space<semaphore_mem>>) src(%dma_wait3A_282 : memref<270336x128xf32, #tpu.memory_space<hbm>>) dst(%arg7 : memref<256x128xf32, #tpu.memory_space<vmem>>)
    %add3A_283 = arith.constant 3072 : i32
    %add3A_284 = arith.addi %mul3A_29, %add3A_283 : i32
    %dma_start3A_285 = arith.constant 0 : i32
    %dma_start3A_286 = tpu.memref_slice %arg4[%add3A_284, %dma_start3A_285] : memref<262144x128xf32, #tpu.memory_space<hbm>> -> memref<256x128xf32, #tpu.memory_space<hbm>>
    %dma_start3A_287 = arith.constant 0 : i32
    %dma_start3A_288 = tpu.memref_slice %arg4[%add3A_284, %dma_start3A_287] : memref<262144x128xf32, #tpu.memory_space<hbm>> -> memref<256x128xf32, #tpu.memory_space<hbm>>
    tpu.enqueue_dma source(%arg7 : memref<256x128xf32, #tpu.memory_space<vmem>>) target(%dma_start3A_288 : memref<256x128xf32, #tpu.memory_space<hbm>>) target_semaphore(%arg11 : memref<!tpu.dma_semaphore, #tpu.memory_space<semaphore_mem>>)
    %dma_wait3A_289 = arith.constant 0 : i32
    %dma_wait3A_290 = tpu.memref_slice %arg4[%add3A_284, %dma_wait3A_289] : memref<262144x128xf32, #tpu.memory_space<hbm>> -> memref<256x128xf32, #tpu.memory_space<hbm>>
    %dma_wait3A_291 = arith.constant 0 : i32
    %dma_wait3A_292 = tpu.memref_slice %arg4[%add3A_284, %dma_wait3A_291] : memref<262144x128xf32, #tpu.memory_space<hbm>> -> memref<256x128xf32, #tpu.memory_space<hbm>>
    tpu.wait_dma2 semaphore(%arg11 : memref<!tpu.dma_semaphore, #tpu.memory_space<semaphore_mem>>) src(%arg7 : memref<256x128xf32, #tpu.memory_space<vmem>>) dst(%dma_wait3A_292 : memref<256x128xf32, #tpu.memory_space<hbm>>)
    %dma_start3A_293 = arith.constant 3584 : i32
    %dma_start3A_294 = tpu.memref_slice %arg6[%dma_start3A_293] : memref<8192xi32, #tpu.memory_space<vmem>> -> memref<256xi32, #tpu.memory_space<vmem>>
    %dma_start3A_295 = arith.constant 0 : i32
    %dma_start3A_296 = arith.constant 0 : i32
    %dma_start3A_297 = tpu.memref_slice %arg3[%dma_start3A_295, %dma_start3A_296] : memref<270336x128xf32, #tpu.memory_space<hbm>> -> memref<270336x128xf32, #tpu.memory_space<hbm>>
    tpu.enqueue_indirect_dma source(%dma_start3A_297 : memref<270336x128xf32, #tpu.memory_space<hbm>>) target(%arg7 : memref<256x128xf32, #tpu.memory_space<vmem>>) offsets(%dma_start3A_294 : memref<256xi32, #tpu.memory_space<vmem>>) semaphore(%arg9 : memref<!tpu.dma_semaphore, #tpu.memory_space<semaphore_mem>>)
    %dma_wait3A_298 = arith.constant 3328 : i32
    %dma_wait3A_299 = tpu.memref_slice %arg6[%dma_wait3A_298] : memref<8192xi32, #tpu.memory_space<vmem>> -> memref<256xi32, #tpu.memory_space<vmem>>
    %dma_wait3A_300 = arith.constant 0 : i32
    %dma_wait3A_301 = arith.constant 0 : i32
    %dma_wait3A_302 = tpu.memref_slice %arg3[%dma_wait3A_300, %dma_wait3A_301] : memref<270336x128xf32, #tpu.memory_space<hbm>> -> memref<270336x128xf32, #tpu.memory_space<hbm>>
    tpu.wait_indirect_dma semaphore(%arg10 : memref<!tpu.dma_semaphore, #tpu.memory_space<semaphore_mem>>) src(%dma_wait3A_302 : memref<270336x128xf32, #tpu.memory_space<hbm>>) dst(%arg8 : memref<256x128xf32, #tpu.memory_space<vmem>>)
    %add3A_303 = arith.constant 3328 : i32
    %add3A_304 = arith.addi %mul3A_29, %add3A_303 : i32
    %dma_start3A_305 = arith.constant 0 : i32
    %dma_start3A_306 = tpu.memref_slice %arg4[%add3A_304, %dma_start3A_305] : memref<262144x128xf32, #tpu.memory_space<hbm>> -> memref<256x128xf32, #tpu.memory_space<hbm>>
    %dma_start3A_307 = arith.constant 0 : i32
    %dma_start3A_308 = tpu.memref_slice %arg4[%add3A_304, %dma_start3A_307] : memref<262144x128xf32, #tpu.memory_space<hbm>> -> memref<256x128xf32, #tpu.memory_space<hbm>>
    tpu.enqueue_dma source(%arg8 : memref<256x128xf32, #tpu.memory_space<vmem>>) target(%dma_start3A_308 : memref<256x128xf32, #tpu.memory_space<hbm>>) target_semaphore(%arg12 : memref<!tpu.dma_semaphore, #tpu.memory_space<semaphore_mem>>)
    %dma_wait3A_309 = arith.constant 0 : i32
    %dma_wait3A_310 = tpu.memref_slice %arg4[%add3A_304, %dma_wait3A_309] : memref<262144x128xf32, #tpu.memory_space<hbm>> -> memref<256x128xf32, #tpu.memory_space<hbm>>
    %dma_wait3A_311 = arith.constant 0 : i32
    %dma_wait3A_312 = tpu.memref_slice %arg4[%add3A_304, %dma_wait3A_311] : memref<262144x128xf32, #tpu.memory_space<hbm>> -> memref<256x128xf32, #tpu.memory_space<hbm>>
    tpu.wait_dma2 semaphore(%arg12 : memref<!tpu.dma_semaphore, #tpu.memory_space<semaphore_mem>>) src(%arg8 : memref<256x128xf32, #tpu.memory_space<vmem>>) dst(%dma_wait3A_312 : memref<256x128xf32, #tpu.memory_space<hbm>>)
    %dma_start3A_313 = arith.constant 3840 : i32
    %dma_start3A_314 = tpu.memref_slice %arg6[%dma_start3A_313] : memref<8192xi32, #tpu.memory_space<vmem>> -> memref<256xi32, #tpu.memory_space<vmem>>
    %dma_start3A_315 = arith.constant 0 : i32
    %dma_start3A_316 = arith.constant 0 : i32
    %dma_start3A_317 = tpu.memref_slice %arg3[%dma_start3A_315, %dma_start3A_316] : memref<270336x128xf32, #tpu.memory_space<hbm>> -> memref<270336x128xf32, #tpu.memory_space<hbm>>
    tpu.enqueue_indirect_dma source(%dma_start3A_317 : memref<270336x128xf32, #tpu.memory_space<hbm>>) target(%arg8 : memref<256x128xf32, #tpu.memory_space<vmem>>) offsets(%dma_start3A_314 : memref<256xi32, #tpu.memory_space<vmem>>) semaphore(%arg10 : memref<!tpu.dma_semaphore, #tpu.memory_space<semaphore_mem>>)
    %dma_wait3A_318 = arith.constant 3584 : i32
    %dma_wait3A_319 = tpu.memref_slice %arg6[%dma_wait3A_318] : memref<8192xi32, #tpu.memory_space<vmem>> -> memref<256xi32, #tpu.memory_space<vmem>>
    %dma_wait3A_320 = arith.constant 0 : i32
    %dma_wait3A_321 = arith.constant 0 : i32
    %dma_wait3A_322 = tpu.memref_slice %arg3[%dma_wait3A_320, %dma_wait3A_321] : memref<270336x128xf32, #tpu.memory_space<hbm>> -> memref<270336x128xf32, #tpu.memory_space<hbm>>
    tpu.wait_indirect_dma semaphore(%arg9 : memref<!tpu.dma_semaphore, #tpu.memory_space<semaphore_mem>>) src(%dma_wait3A_322 : memref<270336x128xf32, #tpu.memory_space<hbm>>) dst(%arg7 : memref<256x128xf32, #tpu.memory_space<vmem>>)
    %add3A_323 = arith.constant 3584 : i32
    %add3A_324 = arith.addi %mul3A_29, %add3A_323 : i32
    %dma_start3A_325 = arith.constant 0 : i32
    %dma_start3A_326 = tpu.memref_slice %arg4[%add3A_324, %dma_start3A_325] : memref<262144x128xf32, #tpu.memory_space<hbm>> -> memref<256x128xf32, #tpu.memory_space<hbm>>
    %dma_start3A_327 = arith.constant 0 : i32
    %dma_start3A_328 = tpu.memref_slice %arg4[%add3A_324, %dma_start3A_327] : memref<262144x128xf32, #tpu.memory_space<hbm>> -> memref<256x128xf32, #tpu.memory_space<hbm>>
    tpu.enqueue_dma source(%arg7 : memref<256x128xf32, #tpu.memory_space<vmem>>) target(%dma_start3A_328 : memref<256x128xf32, #tpu.memory_space<hbm>>) target_semaphore(%arg11 : memref<!tpu.dma_semaphore, #tpu.memory_space<semaphore_mem>>)
    %dma_wait3A_329 = arith.constant 0 : i32
    %dma_wait3A_330 = tpu.memref_slice %arg4[%add3A_324, %dma_wait3A_329] : memref<262144x128xf32, #tpu.memory_space<hbm>> -> memref<256x128xf32, #tpu.memory_space<hbm>>
    %dma_wait3A_331 = arith.constant 0 : i32
    %dma_wait3A_332 = tpu.memref_slice %arg4[%add3A_324, %dma_wait3A_331] : memref<262144x128xf32, #tpu.memory_space<hbm>> -> memref<256x128xf32, #tpu.memory_space<hbm>>
    tpu.wait_dma2 semaphore(%arg11 : memref<!tpu.dma_semaphore, #tpu.memory_space<semaphore_mem>>) src(%arg7 : memref<256x128xf32, #tpu.memory_space<vmem>>) dst(%dma_wait3A_332 : memref<256x128xf32, #tpu.memory_space<hbm>>)
    %dma_start3A_333 = arith.constant 4096 : i32
    %dma_start3A_334 = tpu.memref_slice %arg6[%dma_start3A_333] : memref<8192xi32, #tpu.memory_space<vmem>> -> memref<256xi32, #tpu.memory_space<vmem>>
    %dma_start3A_335 = arith.constant 0 : i32
    %dma_start3A_336 = arith.constant 0 : i32
    %dma_start3A_337 = tpu.memref_slice %arg3[%dma_start3A_335, %dma_start3A_336] : memref<270336x128xf32, #tpu.memory_space<hbm>> -> memref<270336x128xf32, #tpu.memory_space<hbm>>
    tpu.enqueue_indirect_dma source(%dma_start3A_337 : memref<270336x128xf32, #tpu.memory_space<hbm>>) target(%arg7 : memref<256x128xf32, #tpu.memory_space<vmem>>) offsets(%dma_start3A_334 : memref<256xi32, #tpu.memory_space<vmem>>) semaphore(%arg9 : memref<!tpu.dma_semaphore, #tpu.memory_space<semaphore_mem>>)
    %dma_wait3A_338 = arith.constant 3840 : i32
    %dma_wait3A_339 = tpu.memref_slice %arg6[%dma_wait3A_338] : memref<8192xi32, #tpu.memory_space<vmem>> -> memref<256xi32, #tpu.memory_space<vmem>>
    %dma_wait3A_340 = arith.constant 0 : i32
    %dma_wait3A_341 = arith.constant 0 : i32
    %dma_wait3A_342 = tpu.memref_slice %arg3[%dma_wait3A_340, %dma_wait3A_341] : memref<270336x128xf32, #tpu.memory_space<hbm>> -> memref<270336x128xf32, #tpu.memory_space<hbm>>
    tpu.wait_indirect_dma semaphore(%arg10 : memref<!tpu.dma_semaphore, #tpu.memory_space<semaphore_mem>>) src(%dma_wait3A_342 : memref<270336x128xf32, #tpu.memory_space<hbm>>) dst(%arg8 : memref<256x128xf32, #tpu.memory_space<vmem>>)
    %add3A_343 = arith.constant 3840 : i32
    %add3A_344 = arith.addi %mul3A_29, %add3A_343 : i32
    %dma_start3A_345 = arith.constant 0 : i32
    %dma_start3A_346 = tpu.memref_slice %arg4[%add3A_344, %dma_start3A_345] : memref<262144x128xf32, #tpu.memory_space<hbm>> -> memref<256x128xf32, #tpu.memory_space<hbm>>
    %dma_start3A_347 = arith.constant 0 : i32
    %dma_start3A_348 = tpu.memref_slice %arg4[%add3A_344, %dma_start3A_347] : memref<262144x128xf32, #tpu.memory_space<hbm>> -> memref<256x128xf32, #tpu.memory_space<hbm>>
    tpu.enqueue_dma source(%arg8 : memref<256x128xf32, #tpu.memory_space<vmem>>) target(%dma_start3A_348 : memref<256x128xf32, #tpu.memory_space<hbm>>) target_semaphore(%arg12 : memref<!tpu.dma_semaphore, #tpu.memory_space<semaphore_mem>>)
    %dma_wait3A_349 = arith.constant 0 : i32
    %dma_wait3A_350 = tpu.memref_slice %arg4[%add3A_344, %dma_wait3A_349] : memref<262144x128xf32, #tpu.memory_space<hbm>> -> memref<256x128xf32, #tpu.memory_space<hbm>>
    %dma_wait3A_351 = arith.constant 0 : i32
    %dma_wait3A_352 = tpu.memref_slice %arg4[%add3A_344, %dma_wait3A_351] : memref<262144x128xf32, #tpu.memory_space<hbm>> -> memref<256x128xf32, #tpu.memory_space<hbm>>
    tpu.wait_dma2 semaphore(%arg12 : memref<!tpu.dma_semaphore, #tpu.memory_space<semaphore_mem>>) src(%arg8 : memref<256x128xf32, #tpu.memory_space<vmem>>) dst(%dma_wait3A_352 : memref<256x128xf32, #tpu.memory_space<hbm>>)
    %dma_start3A_353 = arith.constant 4352 : i32
    %dma_start3A_354 = tpu.memref_slice %arg6[%dma_start3A_353] : memref<8192xi32, #tpu.memory_space<vmem>> -> memref<256xi32, #tpu.memory_space<vmem>>
    %dma_start3A_355 = arith.constant 0 : i32
    %dma_start3A_356 = arith.constant 0 : i32
    %dma_start3A_357 = tpu.memref_slice %arg3[%dma_start3A_355, %dma_start3A_356] : memref<270336x128xf32, #tpu.memory_space<hbm>> -> memref<270336x128xf32, #tpu.memory_space<hbm>>
    tpu.enqueue_indirect_dma source(%dma_start3A_357 : memref<270336x128xf32, #tpu.memory_space<hbm>>) target(%arg8 : memref<256x128xf32, #tpu.memory_space<vmem>>) offsets(%dma_start3A_354 : memref<256xi32, #tpu.memory_space<vmem>>) semaphore(%arg10 : memref<!tpu.dma_semaphore, #tpu.memory_space<semaphore_mem>>)
    %dma_wait3A_358 = arith.constant 4096 : i32
    %dma_wait3A_359 = tpu.memref_slice %arg6[%dma_wait3A_358] : memref<8192xi32, #tpu.memory_space<vmem>> -> memref<256xi32, #tpu.memory_space<vmem>>
    %dma_wait3A_360 = arith.constant 0 : i32
    %dma_wait3A_361 = arith.constant 0 : i32
    %dma_wait3A_362 = tpu.memref_slice %arg3[%dma_wait3A_360, %dma_wait3A_361] : memref<270336x128xf32, #tpu.memory_space<hbm>> -> memref<270336x128xf32, #tpu.memory_space<hbm>>
    tpu.wait_indirect_dma semaphore(%arg9 : memref<!tpu.dma_semaphore, #tpu.memory_space<semaphore_mem>>) src(%dma_wait3A_362 : memref<270336x128xf32, #tpu.memory_space<hbm>>) dst(%arg7 : memref<256x128xf32, #tpu.memory_space<vmem>>)
    %add3A_363 = arith.constant 4096 : i32
    %add3A_364 = arith.addi %mul3A_29, %add3A_363 : i32
    %dma_start3A_365 = arith.constant 0 : i32
    %dma_start3A_366 = tpu.memref_slice %arg4[%add3A_364, %dma_start3A_365] : memref<262144x128xf32, #tpu.memory_space<hbm>> -> memref<256x128xf32, #tpu.memory_space<hbm>>
    %dma_start3A_367 = arith.constant 0 : i32
    %dma_start3A_368 = tpu.memref_slice %arg4[%add3A_364, %dma_start3A_367] : memref<262144x128xf32, #tpu.memory_space<hbm>> -> memref<256x128xf32, #tpu.memory_space<hbm>>
    tpu.enqueue_dma source(%arg7 : memref<256x128xf32, #tpu.memory_space<vmem>>) target(%dma_start3A_368 : memref<256x128xf32, #tpu.memory_space<hbm>>) target_semaphore(%arg11 : memref<!tpu.dma_semaphore, #tpu.memory_space<semaphore_mem>>)
    %dma_wait3A_369 = arith.constant 0 : i32
    %dma_wait3A_370 = tpu.memref_slice %arg4[%add3A_364, %dma_wait3A_369] : memref<262144x128xf32, #tpu.memory_space<hbm>> -> memref<256x128xf32, #tpu.memory_space<hbm>>
    %dma_wait3A_371 = arith.constant 0 : i32
    %dma_wait3A_372 = tpu.memref_slice %arg4[%add3A_364, %dma_wait3A_371] : memref<262144x128xf32, #tpu.memory_space<hbm>> -> memref<256x128xf32, #tpu.memory_space<hbm>>
    tpu.wait_dma2 semaphore(%arg11 : memref<!tpu.dma_semaphore, #tpu.memory_space<semaphore_mem>>) src(%arg7 : memref<256x128xf32, #tpu.memory_space<vmem>>) dst(%dma_wait3A_372 : memref<256x128xf32, #tpu.memory_space<hbm>>)
    %dma_start3A_373 = arith.constant 4608 : i32
    %dma_start3A_374 = tpu.memref_slice %arg6[%dma_start3A_373] : memref<8192xi32, #tpu.memory_space<vmem>> -> memref<256xi32, #tpu.memory_space<vmem>>
    %dma_start3A_375 = arith.constant 0 : i32
    %dma_start3A_376 = arith.constant 0 : i32
    %dma_start3A_377 = tpu.memref_slice %arg3[%dma_start3A_375, %dma_start3A_376] : memref<270336x128xf32, #tpu.memory_space<hbm>> -> memref<270336x128xf32, #tpu.memory_space<hbm>>
    tpu.enqueue_indirect_dma source(%dma_start3A_377 : memref<270336x128xf32, #tpu.memory_space<hbm>>) target(%arg7 : memref<256x128xf32, #tpu.memory_space<vmem>>) offsets(%dma_start3A_374 : memref<256xi32, #tpu.memory_space<vmem>>) semaphore(%arg9 : memref<!tpu.dma_semaphore, #tpu.memory_space<semaphore_mem>>)
    %dma_wait3A_378 = arith.constant 4352 : i32
    %dma_wait3A_379 = tpu.memref_slice %arg6[%dma_wait3A_378] : memref<8192xi32, #tpu.memory_space<vmem>> -> memref<256xi32, #tpu.memory_space<vmem>>
    %dma_wait3A_380 = arith.constant 0 : i32
    %dma_wait3A_381 = arith.constant 0 : i32
    %dma_wait3A_382 = tpu.memref_slice %arg3[%dma_wait3A_380, %dma_wait3A_381] : memref<270336x128xf32, #tpu.memory_space<hbm>> -> memref<270336x128xf32, #tpu.memory_space<hbm>>
    tpu.wait_indirect_dma semaphore(%arg10 : memref<!tpu.dma_semaphore, #tpu.memory_space<semaphore_mem>>) src(%dma_wait3A_382 : memref<270336x128xf32, #tpu.memory_space<hbm>>) dst(%arg8 : memref<256x128xf32, #tpu.memory_space<vmem>>)
    %add3A_383 = arith.constant 4352 : i32
    %add3A_384 = arith.addi %mul3A_29, %add3A_383 : i32
    %dma_start3A_385 = arith.constant 0 : i32
    %dma_start3A_386 = tpu.memref_slice %arg4[%add3A_384, %dma_start3A_385] : memref<262144x128xf32, #tpu.memory_space<hbm>> -> memref<256x128xf32, #tpu.memory_space<hbm>>
    %dma_start3A_387 = arith.constant 0 : i32
    %dma_start3A_388 = tpu.memref_slice %arg4[%add3A_384, %dma_start3A_387] : memref<262144x128xf32, #tpu.memory_space<hbm>> -> memref<256x128xf32, #tpu.memory_space<hbm>>
    tpu.enqueue_dma source(%arg8 : memref<256x128xf32, #tpu.memory_space<vmem>>) target(%dma_start3A_388 : memref<256x128xf32, #tpu.memory_space<hbm>>) target_semaphore(%arg12 : memref<!tpu.dma_semaphore, #tpu.memory_space<semaphore_mem>>)
    %dma_wait3A_389 = arith.constant 0 : i32
    %dma_wait3A_390 = tpu.memref_slice %arg4[%add3A_384, %dma_wait3A_389] : memref<262144x128xf32, #tpu.memory_space<hbm>> -> memref<256x128xf32, #tpu.memory_space<hbm>>
    %dma_wait3A_391 = arith.constant 0 : i32
    %dma_wait3A_392 = tpu.memref_slice %arg4[%add3A_384, %dma_wait3A_391] : memref<262144x128xf32, #tpu.memory_space<hbm>> -> memref<256x128xf32, #tpu.memory_space<hbm>>
    tpu.wait_dma2 semaphore(%arg12 : memref<!tpu.dma_semaphore, #tpu.memory_space<semaphore_mem>>) src(%arg8 : memref<256x128xf32, #tpu.memory_space<vmem>>) dst(%dma_wait3A_392 : memref<256x128xf32, #tpu.memory_space<hbm>>)
    %dma_start3A_393 = arith.constant 4864 : i32
    %dma_start3A_394 = tpu.memref_slice %arg6[%dma_start3A_393] : memref<8192xi32, #tpu.memory_space<vmem>> -> memref<256xi32, #tpu.memory_space<vmem>>
    %dma_start3A_395 = arith.constant 0 : i32
    %dma_start3A_396 = arith.constant 0 : i32
    %dma_start3A_397 = tpu.memref_slice %arg3[%dma_start3A_395, %dma_start3A_396] : memref<270336x128xf32, #tpu.memory_space<hbm>> -> memref<270336x128xf32, #tpu.memory_space<hbm>>
    tpu.enqueue_indirect_dma source(%dma_start3A_397 : memref<270336x128xf32, #tpu.memory_space<hbm>>) target(%arg8 : memref<256x128xf32, #tpu.memory_space<vmem>>) offsets(%dma_start3A_394 : memref<256xi32, #tpu.memory_space<vmem>>) semaphore(%arg10 : memref<!tpu.dma_semaphore, #tpu.memory_space<semaphore_mem>>)
    %dma_wait3A_398 = arith.constant 4608 : i32
    %dma_wait3A_399 = tpu.memref_slice %arg6[%dma_wait3A_398] : memref<8192xi32, #tpu.memory_space<vmem>> -> memref<256xi32, #tpu.memory_space<vmem>>
    %dma_wait3A_400 = arith.constant 0 : i32
    %dma_wait3A_401 = arith.constant 0 : i32
    %dma_wait3A_402 = tpu.memref_slice %arg3[%dma_wait3A_400, %dma_wait3A_401] : memref<270336x128xf32, #tpu.memory_space<hbm>> -> memref<270336x128xf32, #tpu.memory_space<hbm>>
    tpu.wait_indirect_dma semaphore(%arg9 : memref<!tpu.dma_semaphore, #tpu.memory_space<semaphore_mem>>) src(%dma_wait3A_402 : memref<270336x128xf32, #tpu.memory_space<hbm>>) dst(%arg7 : memref<256x128xf32, #tpu.memory_space<vmem>>)
    %add3A_403 = arith.constant 4608 : i32
    %add3A_404 = arith.addi %mul3A_29, %add3A_403 : i32
    %dma_start3A_405 = arith.constant 0 : i32
    %dma_start3A_406 = tpu.memref_slice %arg4[%add3A_404, %dma_start3A_405] : memref<262144x128xf32, #tpu.memory_space<hbm>> -> memref<256x128xf32, #tpu.memory_space<hbm>>
    %dma_start3A_407 = arith.constant 0 : i32
    %dma_start3A_408 = tpu.memref_slice %arg4[%add3A_404, %dma_start3A_407] : memref<262144x128xf32, #tpu.memory_space<hbm>> -> memref<256x128xf32, #tpu.memory_space<hbm>>
    tpu.enqueue_dma source(%arg7 : memref<256x128xf32, #tpu.memory_space<vmem>>) target(%dma_start3A_408 : memref<256x128xf32, #tpu.memory_space<hbm>>) target_semaphore(%arg11 : memref<!tpu.dma_semaphore, #tpu.memory_space<semaphore_mem>>)
    %dma_wait3A_409 = arith.constant 0 : i32
    %dma_wait3A_410 = tpu.memref_slice %arg4[%add3A_404, %dma_wait3A_409] : memref<262144x128xf32, #tpu.memory_space<hbm>> -> memref<256x128xf32, #tpu.memory_space<hbm>>
    %dma_wait3A_411 = arith.constant 0 : i32
    %dma_wait3A_412 = tpu.memref_slice %arg4[%add3A_404, %dma_wait3A_411] : memref<262144x128xf32, #tpu.memory_space<hbm>> -> memref<256x128xf32, #tpu.memory_space<hbm>>
    tpu.wait_dma2 semaphore(%arg11 : memref<!tpu.dma_semaphore, #tpu.memory_space<semaphore_mem>>) src(%arg7 : memref<256x128xf32, #tpu.memory_space<vmem>>) dst(%dma_wait3A_412 : memref<256x128xf32, #tpu.memory_space<hbm>>)
    %dma_start3A_413 = arith.constant 5120 : i32
    %dma_start3A_414 = tpu.memref_slice %arg6[%dma_start3A_413] : memref<8192xi32, #tpu.memory_space<vmem>> -> memref<256xi32, #tpu.memory_space<vmem>>
    %dma_start3A_415 = arith.constant 0 : i32
    %dma_start3A_416 = arith.constant 0 : i32
    %dma_start3A_417 = tpu.memref_slice %arg3[%dma_start3A_415, %dma_start3A_416] : memref<270336x128xf32, #tpu.memory_space<hbm>> -> memref<270336x128xf32, #tpu.memory_space<hbm>>
    tpu.enqueue_indirect_dma source(%dma_start3A_417 : memref<270336x128xf32, #tpu.memory_space<hbm>>) target(%arg7 : memref<256x128xf32, #tpu.memory_space<vmem>>) offsets(%dma_start3A_414 : memref<256xi32, #tpu.memory_space<vmem>>) semaphore(%arg9 : memref<!tpu.dma_semaphore, #tpu.memory_space<semaphore_mem>>)
    %dma_wait3A_418 = arith.constant 4864 : i32
    %dma_wait3A_419 = tpu.memref_slice %arg6[%dma_wait3A_418] : memref<8192xi32, #tpu.memory_space<vmem>> -> memref<256xi32, #tpu.memory_space<vmem>>
    %dma_wait3A_420 = arith.constant 0 : i32
    %dma_wait3A_421 = arith.constant 0 : i32
    %dma_wait3A_422 = tpu.memref_slice %arg3[%dma_wait3A_420, %dma_wait3A_421] : memref<270336x128xf32, #tpu.memory_space<hbm>> -> memref<270336x128xf32, #tpu.memory_space<hbm>>
    tpu.wait_indirect_dma semaphore(%arg10 : memref<!tpu.dma_semaphore, #tpu.memory_space<semaphore_mem>>) src(%dma_wait3A_422 : memref<270336x128xf32, #tpu.memory_space<hbm>>) dst(%arg8 : memref<256x128xf32, #tpu.memory_space<vmem>>)
    %add3A_423 = arith.constant 4864 : i32
    %add3A_424 = arith.addi %mul3A_29, %add3A_423 : i32
    %dma_start3A_425 = arith.constant 0 : i32
    %dma_start3A_426 = tpu.memref_slice %arg4[%add3A_424, %dma_start3A_425] : memref<262144x128xf32, #tpu.memory_space<hbm>> -> memref<256x128xf32, #tpu.memory_space<hbm>>
    %dma_start3A_427 = arith.constant 0 : i32
    %dma_start3A_428 = tpu.memref_slice %arg4[%add3A_424, %dma_start3A_427] : memref<262144x128xf32, #tpu.memory_space<hbm>> -> memref<256x128xf32, #tpu.memory_space<hbm>>
    tpu.enqueue_dma source(%arg8 : memref<256x128xf32, #tpu.memory_space<vmem>>) target(%dma_start3A_428 : memref<256x128xf32, #tpu.memory_space<hbm>>) target_semaphore(%arg12 : memref<!tpu.dma_semaphore, #tpu.memory_space<semaphore_mem>>)
    %dma_wait3A_429 = arith.constant 0 : i32
    %dma_wait3A_430 = tpu.memref_slice %arg4[%add3A_424, %dma_wait3A_429] : memref<262144x128xf32, #tpu.memory_space<hbm>> -> memref<256x128xf32, #tpu.memory_space<hbm>>
    %dma_wait3A_431 = arith.constant 0 : i32
    %dma_wait3A_432 = tpu.memref_slice %arg4[%add3A_424, %dma_wait3A_431] : memref<262144x128xf32, #tpu.memory_space<hbm>> -> memref<256x128xf32, #tpu.memory_space<hbm>>
    tpu.wait_dma2 semaphore(%arg12 : memref<!tpu.dma_semaphore, #tpu.memory_space<semaphore_mem>>) src(%arg8 : memref<256x128xf32, #tpu.memory_space<vmem>>) dst(%dma_wait3A_432 : memref<256x128xf32, #tpu.memory_space<hbm>>)
    %dma_start3A_433 = arith.constant 5376 : i32
    %dma_start3A_434 = tpu.memref_slice %arg6[%dma_start3A_433] : memref<8192xi32, #tpu.memory_space<vmem>> -> memref<256xi32, #tpu.memory_space<vmem>>
    %dma_start3A_435 = arith.constant 0 : i32
    %dma_start3A_436 = arith.constant 0 : i32
    %dma_start3A_437 = tpu.memref_slice %arg3[%dma_start3A_435, %dma_start3A_436] : memref<270336x128xf32, #tpu.memory_space<hbm>> -> memref<270336x128xf32, #tpu.memory_space<hbm>>
    tpu.enqueue_indirect_dma source(%dma_start3A_437 : memref<270336x128xf32, #tpu.memory_space<hbm>>) target(%arg8 : memref<256x128xf32, #tpu.memory_space<vmem>>) offsets(%dma_start3A_434 : memref<256xi32, #tpu.memory_space<vmem>>) semaphore(%arg10 : memref<!tpu.dma_semaphore, #tpu.memory_space<semaphore_mem>>)
    %dma_wait3A_438 = arith.constant 5120 : i32
    %dma_wait3A_439 = tpu.memref_slice %arg6[%dma_wait3A_438] : memref<8192xi32, #tpu.memory_space<vmem>> -> memref<256xi32, #tpu.memory_space<vmem>>
    %dma_wait3A_440 = arith.constant 0 : i32
    %dma_wait3A_441 = arith.constant 0 : i32
    %dma_wait3A_442 = tpu.memref_slice %arg3[%dma_wait3A_440, %dma_wait3A_441] : memref<270336x128xf32, #tpu.memory_space<hbm>> -> memref<270336x128xf32, #tpu.memory_space<hbm>>
    tpu.wait_indirect_dma semaphore(%arg9 : memref<!tpu.dma_semaphore, #tpu.memory_space<semaphore_mem>>) src(%dma_wait3A_442 : memref<270336x128xf32, #tpu.memory_space<hbm>>) dst(%arg7 : memref<256x128xf32, #tpu.memory_space<vmem>>)
    %add3A_443 = arith.constant 5120 : i32
    %add3A_444 = arith.addi %mul3A_29, %add3A_443 : i32
    %dma_start3A_445 = arith.constant 0 : i32
    %dma_start3A_446 = tpu.memref_slice %arg4[%add3A_444, %dma_start3A_445] : memref<262144x128xf32, #tpu.memory_space<hbm>> -> memref<256x128xf32, #tpu.memory_space<hbm>>
    %dma_start3A_447 = arith.constant 0 : i32
    %dma_start3A_448 = tpu.memref_slice %arg4[%add3A_444, %dma_start3A_447] : memref<262144x128xf32, #tpu.memory_space<hbm>> -> memref<256x128xf32, #tpu.memory_space<hbm>>
    tpu.enqueue_dma source(%arg7 : memref<256x128xf32, #tpu.memory_space<vmem>>) target(%dma_start3A_448 : memref<256x128xf32, #tpu.memory_space<hbm>>) target_semaphore(%arg11 : memref<!tpu.dma_semaphore, #tpu.memory_space<semaphore_mem>>)
    %dma_wait3A_449 = arith.constant 0 : i32
    %dma_wait3A_450 = tpu.memref_slice %arg4[%add3A_444, %dma_wait3A_449] : memref<262144x128xf32, #tpu.memory_space<hbm>> -> memref<256x128xf32, #tpu.memory_space<hbm>>
    %dma_wait3A_451 = arith.constant 0 : i32
    %dma_wait3A_452 = tpu.memref_slice %arg4[%add3A_444, %dma_wait3A_451] : memref<262144x128xf32, #tpu.memory_space<hbm>> -> memref<256x128xf32, #tpu.memory_space<hbm>>
    tpu.wait_dma2 semaphore(%arg11 : memref<!tpu.dma_semaphore, #tpu.memory_space<semaphore_mem>>) src(%arg7 : memref<256x128xf32, #tpu.memory_space<vmem>>) dst(%dma_wait3A_452 : memref<256x128xf32, #tpu.memory_space<hbm>>)
    %dma_start3A_453 = arith.constant 5632 : i32
    %dma_start3A_454 = tpu.memref_slice %arg6[%dma_start3A_453] : memref<8192xi32, #tpu.memory_space<vmem>> -> memref<256xi32, #tpu.memory_space<vmem>>
    %dma_start3A_455 = arith.constant 0 : i32
    %dma_start3A_456 = arith.constant 0 : i32
    %dma_start3A_457 = tpu.memref_slice %arg3[%dma_start3A_455, %dma_start3A_456] : memref<270336x128xf32, #tpu.memory_space<hbm>> -> memref<270336x128xf32, #tpu.memory_space<hbm>>
    tpu.enqueue_indirect_dma source(%dma_start3A_457 : memref<270336x128xf32, #tpu.memory_space<hbm>>) target(%arg7 : memref<256x128xf32, #tpu.memory_space<vmem>>) offsets(%dma_start3A_454 : memref<256xi32, #tpu.memory_space<vmem>>) semaphore(%arg9 : memref<!tpu.dma_semaphore, #tpu.memory_space<semaphore_mem>>)
    %dma_wait3A_458 = arith.constant 5376 : i32
    %dma_wait3A_459 = tpu.memref_slice %arg6[%dma_wait3A_458] : memref<8192xi32, #tpu.memory_space<vmem>> -> memref<256xi32, #tpu.memory_space<vmem>>
    %dma_wait3A_460 = arith.constant 0 : i32
    %dma_wait3A_461 = arith.constant 0 : i32
    %dma_wait3A_462 = tpu.memref_slice %arg3[%dma_wait3A_460, %dma_wait3A_461] : memref<270336x128xf32, #tpu.memory_space<hbm>> -> memref<270336x128xf32, #tpu.memory_space<hbm>>
    tpu.wait_indirect_dma semaphore(%arg10 : memref<!tpu.dma_semaphore, #tpu.memory_space<semaphore_mem>>) src(%dma_wait3A_462 : memref<270336x128xf32, #tpu.memory_space<hbm>>) dst(%arg8 : memref<256x128xf32, #tpu.memory_space<vmem>>)
    %add3A_463 = arith.constant 5376 : i32
    %add3A_464 = arith.addi %mul3A_29, %add3A_463 : i32
    %dma_start3A_465 = arith.constant 0 : i32
    %dma_start3A_466 = tpu.memref_slice %arg4[%add3A_464, %dma_start3A_465] : memref<262144x128xf32, #tpu.memory_space<hbm>> -> memref<256x128xf32, #tpu.memory_space<hbm>>
    %dma_start3A_467 = arith.constant 0 : i32
    %dma_start3A_468 = tpu.memref_slice %arg4[%add3A_464, %dma_start3A_467] : memref<262144x128xf32, #tpu.memory_space<hbm>> -> memref<256x128xf32, #tpu.memory_space<hbm>>
    tpu.enqueue_dma source(%arg8 : memref<256x128xf32, #tpu.memory_space<vmem>>) target(%dma_start3A_468 : memref<256x128xf32, #tpu.memory_space<hbm>>) target_semaphore(%arg12 : memref<!tpu.dma_semaphore, #tpu.memory_space<semaphore_mem>>)
    %dma_wait3A_469 = arith.constant 0 : i32
    %dma_wait3A_470 = tpu.memref_slice %arg4[%add3A_464, %dma_wait3A_469] : memref<262144x128xf32, #tpu.memory_space<hbm>> -> memref<256x128xf32, #tpu.memory_space<hbm>>
    %dma_wait3A_471 = arith.constant 0 : i32
    %dma_wait3A_472 = tpu.memref_slice %arg4[%add3A_464, %dma_wait3A_471] : memref<262144x128xf32, #tpu.memory_space<hbm>> -> memref<256x128xf32, #tpu.memory_space<hbm>>
    tpu.wait_dma2 semaphore(%arg12 : memref<!tpu.dma_semaphore, #tpu.memory_space<semaphore_mem>>) src(%arg8 : memref<256x128xf32, #tpu.memory_space<vmem>>) dst(%dma_wait3A_472 : memref<256x128xf32, #tpu.memory_space<hbm>>)
    %dma_start3A_473 = arith.constant 5888 : i32
    %dma_start3A_474 = tpu.memref_slice %arg6[%dma_start3A_473] : memref<8192xi32, #tpu.memory_space<vmem>> -> memref<256xi32, #tpu.memory_space<vmem>>
    %dma_start3A_475 = arith.constant 0 : i32
    %dma_start3A_476 = arith.constant 0 : i32
    %dma_start3A_477 = tpu.memref_slice %arg3[%dma_start3A_475, %dma_start3A_476] : memref<270336x128xf32, #tpu.memory_space<hbm>> -> memref<270336x128xf32, #tpu.memory_space<hbm>>
    tpu.enqueue_indirect_dma source(%dma_start3A_477 : memref<270336x128xf32, #tpu.memory_space<hbm>>) target(%arg8 : memref<256x128xf32, #tpu.memory_space<vmem>>) offsets(%dma_start3A_474 : memref<256xi32, #tpu.memory_space<vmem>>) semaphore(%arg10 : memref<!tpu.dma_semaphore, #tpu.memory_space<semaphore_mem>>)
    %dma_wait3A_478 = arith.constant 5632 : i32
    %dma_wait3A_479 = tpu.memref_slice %arg6[%dma_wait3A_478] : memref<8192xi32, #tpu.memory_space<vmem>> -> memref<256xi32, #tpu.memory_space<vmem>>
    %dma_wait3A_480 = arith.constant 0 : i32
    %dma_wait3A_481 = arith.constant 0 : i32
    %dma_wait3A_482 = tpu.memref_slice %arg3[%dma_wait3A_480, %dma_wait3A_481] : memref<270336x128xf32, #tpu.memory_space<hbm>> -> memref<270336x128xf32, #tpu.memory_space<hbm>>
    tpu.wait_indirect_dma semaphore(%arg9 : memref<!tpu.dma_semaphore, #tpu.memory_space<semaphore_mem>>) src(%dma_wait3A_482 : memref<270336x128xf32, #tpu.memory_space<hbm>>) dst(%arg7 : memref<256x128xf32, #tpu.memory_space<vmem>>)
    %add3A_483 = arith.constant 5632 : i32
    %add3A_484 = arith.addi %mul3A_29, %add3A_483 : i32
    %dma_start3A_485 = arith.constant 0 : i32
    %dma_start3A_486 = tpu.memref_slice %arg4[%add3A_484, %dma_start3A_485] : memref<262144x128xf32, #tpu.memory_space<hbm>> -> memref<256x128xf32, #tpu.memory_space<hbm>>
    %dma_start3A_487 = arith.constant 0 : i32
    %dma_start3A_488 = tpu.memref_slice %arg4[%add3A_484, %dma_start3A_487] : memref<262144x128xf32, #tpu.memory_space<hbm>> -> memref<256x128xf32, #tpu.memory_space<hbm>>
    tpu.enqueue_dma source(%arg7 : memref<256x128xf32, #tpu.memory_space<vmem>>) target(%dma_start3A_488 : memref<256x128xf32, #tpu.memory_space<hbm>>) target_semaphore(%arg11 : memref<!tpu.dma_semaphore, #tpu.memory_space<semaphore_mem>>)
    %dma_wait3A_489 = arith.constant 0 : i32
    %dma_wait3A_490 = tpu.memref_slice %arg4[%add3A_484, %dma_wait3A_489] : memref<262144x128xf32, #tpu.memory_space<hbm>> -> memref<256x128xf32, #tpu.memory_space<hbm>>
    %dma_wait3A_491 = arith.constant 0 : i32
    %dma_wait3A_492 = tpu.memref_slice %arg4[%add3A_484, %dma_wait3A_491] : memref<262144x128xf32, #tpu.memory_space<hbm>> -> memref<256x128xf32, #tpu.memory_space<hbm>>
    tpu.wait_dma2 semaphore(%arg11 : memref<!tpu.dma_semaphore, #tpu.memory_space<semaphore_mem>>) src(%arg7 : memref<256x128xf32, #tpu.memory_space<vmem>>) dst(%dma_wait3A_492 : memref<256x128xf32, #tpu.memory_space<hbm>>)
    %dma_start3A_493 = arith.constant 6144 : i32
    %dma_start3A_494 = tpu.memref_slice %arg6[%dma_start3A_493] : memref<8192xi32, #tpu.memory_space<vmem>> -> memref<256xi32, #tpu.memory_space<vmem>>
    %dma_start3A_495 = arith.constant 0 : i32
    %dma_start3A_496 = arith.constant 0 : i32
    %dma_start3A_497 = tpu.memref_slice %arg3[%dma_start3A_495, %dma_start3A_496] : memref<270336x128xf32, #tpu.memory_space<hbm>> -> memref<270336x128xf32, #tpu.memory_space<hbm>>
    tpu.enqueue_indirect_dma source(%dma_start3A_497 : memref<270336x128xf32, #tpu.memory_space<hbm>>) target(%arg7 : memref<256x128xf32, #tpu.memory_space<vmem>>) offsets(%dma_start3A_494 : memref<256xi32, #tpu.memory_space<vmem>>) semaphore(%arg9 : memref<!tpu.dma_semaphore, #tpu.memory_space<semaphore_mem>>)
    %dma_wait3A_498 = arith.constant 5888 : i32
    %dma_wait3A_499 = tpu.memref_slice %arg6[%dma_wait3A_498] : memref<8192xi32, #tpu.memory_space<vmem>> -> memref<256xi32, #tpu.memory_space<vmem>>
    %dma_wait3A_500 = arith.constant 0 : i32
    %dma_wait3A_501 = arith.constant 0 : i32
    %dma_wait3A_502 = tpu.memref_slice %arg3[%dma_wait3A_500, %dma_wait3A_501] : memref<270336x128xf32, #tpu.memory_space<hbm>> -> memref<270336x128xf32, #tpu.memory_space<hbm>>
    tpu.wait_indirect_dma semaphore(%arg10 : memref<!tpu.dma_semaphore, #tpu.memory_space<semaphore_mem>>) src(%dma_wait3A_502 : memref<270336x128xf32, #tpu.memory_space<hbm>>) dst(%arg8 : memref<256x128xf32, #tpu.memory_space<vmem>>)
    %add3A_503 = arith.constant 5888 : i32
    %add3A_504 = arith.addi %mul3A_29, %add3A_503 : i32
    %dma_start3A_505 = arith.constant 0 : i32
    %dma_start3A_506 = tpu.memref_slice %arg4[%add3A_504, %dma_start3A_505] : memref<262144x128xf32, #tpu.memory_space<hbm>> -> memref<256x128xf32, #tpu.memory_space<hbm>>
    %dma_start3A_507 = arith.constant 0 : i32
    %dma_start3A_508 = tpu.memref_slice %arg4[%add3A_504, %dma_start3A_507] : memref<262144x128xf32, #tpu.memory_space<hbm>> -> memref<256x128xf32, #tpu.memory_space<hbm>>
    tpu.enqueue_dma source(%arg8 : memref<256x128xf32, #tpu.memory_space<vmem>>) target(%dma_start3A_508 : memref<256x128xf32, #tpu.memory_space<hbm>>) target_semaphore(%arg12 : memref<!tpu.dma_semaphore, #tpu.memory_space<semaphore_mem>>)
    %dma_wait3A_509 = arith.constant 0 : i32
    %dma_wait3A_510 = tpu.memref_slice %arg4[%add3A_504, %dma_wait3A_509] : memref<262144x128xf32, #tpu.memory_space<hbm>> -> memref<256x128xf32, #tpu.memory_space<hbm>>
    %dma_wait3A_511 = arith.constant 0 : i32
    %dma_wait3A_512 = tpu.memref_slice %arg4[%add3A_504, %dma_wait3A_511] : memref<262144x128xf32, #tpu.memory_space<hbm>> -> memref<256x128xf32, #tpu.memory_space<hbm>>
    tpu.wait_dma2 semaphore(%arg12 : memref<!tpu.dma_semaphore, #tpu.memory_space<semaphore_mem>>) src(%arg8 : memref<256x128xf32, #tpu.memory_space<vmem>>) dst(%dma_wait3A_512 : memref<256x128xf32, #tpu.memory_space<hbm>>)
    %dma_start3A_513 = arith.constant 6400 : i32
    %dma_start3A_514 = tpu.memref_slice %arg6[%dma_start3A_513] : memref<8192xi32, #tpu.memory_space<vmem>> -> memref<256xi32, #tpu.memory_space<vmem>>
    %dma_start3A_515 = arith.constant 0 : i32
    %dma_start3A_516 = arith.constant 0 : i32
    %dma_start3A_517 = tpu.memref_slice %arg3[%dma_start3A_515, %dma_start3A_516] : memref<270336x128xf32, #tpu.memory_space<hbm>> -> memref<270336x128xf32, #tpu.memory_space<hbm>>
    tpu.enqueue_indirect_dma source(%dma_start3A_517 : memref<270336x128xf32, #tpu.memory_space<hbm>>) target(%arg8 : memref<256x128xf32, #tpu.memory_space<vmem>>) offsets(%dma_start3A_514 : memref<256xi32, #tpu.memory_space<vmem>>) semaphore(%arg10 : memref<!tpu.dma_semaphore, #tpu.memory_space<semaphore_mem>>)
    %dma_wait3A_518 = arith.constant 6144 : i32
    %dma_wait3A_519 = tpu.memref_slice %arg6[%dma_wait3A_518] : memref<8192xi32, #tpu.memory_space<vmem>> -> memref<256xi32, #tpu.memory_space<vmem>>
    %dma_wait3A_520 = arith.constant 0 : i32
    %dma_wait3A_521 = arith.constant 0 : i32
    %dma_wait3A_522 = tpu.memref_slice %arg3[%dma_wait3A_520, %dma_wait3A_521] : memref<270336x128xf32, #tpu.memory_space<hbm>> -> memref<270336x128xf32, #tpu.memory_space<hbm>>
    tpu.wait_indirect_dma semaphore(%arg9 : memref<!tpu.dma_semaphore, #tpu.memory_space<semaphore_mem>>) src(%dma_wait3A_522 : memref<270336x128xf32, #tpu.memory_space<hbm>>) dst(%arg7 : memref<256x128xf32, #tpu.memory_space<vmem>>)
    %add3A_523 = arith.constant 6144 : i32
    %add3A_524 = arith.addi %mul3A_29, %add3A_523 : i32
    %dma_start3A_525 = arith.constant 0 : i32
    %dma_start3A_526 = tpu.memref_slice %arg4[%add3A_524, %dma_start3A_525] : memref<262144x128xf32, #tpu.memory_space<hbm>> -> memref<256x128xf32, #tpu.memory_space<hbm>>
    %dma_start3A_527 = arith.constant 0 : i32
    %dma_start3A_528 = tpu.memref_slice %arg4[%add3A_524, %dma_start3A_527] : memref<262144x128xf32, #tpu.memory_space<hbm>> -> memref<256x128xf32, #tpu.memory_space<hbm>>
    tpu.enqueue_dma source(%arg7 : memref<256x128xf32, #tpu.memory_space<vmem>>) target(%dma_start3A_528 : memref<256x128xf32, #tpu.memory_space<hbm>>) target_semaphore(%arg11 : memref<!tpu.dma_semaphore, #tpu.memory_space<semaphore_mem>>)
    %dma_wait3A_529 = arith.constant 0 : i32
    %dma_wait3A_530 = tpu.memref_slice %arg4[%add3A_524, %dma_wait3A_529] : memref<262144x128xf32, #tpu.memory_space<hbm>> -> memref<256x128xf32, #tpu.memory_space<hbm>>
    %dma_wait3A_531 = arith.constant 0 : i32
    %dma_wait3A_532 = tpu.memref_slice %arg4[%add3A_524, %dma_wait3A_531] : memref<262144x128xf32, #tpu.memory_space<hbm>> -> memref<256x128xf32, #tpu.memory_space<hbm>>
    tpu.wait_dma2 semaphore(%arg11 : memref<!tpu.dma_semaphore, #tpu.memory_space<semaphore_mem>>) src(%arg7 : memref<256x128xf32, #tpu.memory_space<vmem>>) dst(%dma_wait3A_532 : memref<256x128xf32, #tpu.memory_space<hbm>>)
    %dma_start3A_533 = arith.constant 6656 : i32
    %dma_start3A_534 = tpu.memref_slice %arg6[%dma_start3A_533] : memref<8192xi32, #tpu.memory_space<vmem>> -> memref<256xi32, #tpu.memory_space<vmem>>
    %dma_start3A_535 = arith.constant 0 : i32
    %dma_start3A_536 = arith.constant 0 : i32
    %dma_start3A_537 = tpu.memref_slice %arg3[%dma_start3A_535, %dma_start3A_536] : memref<270336x128xf32, #tpu.memory_space<hbm>> -> memref<270336x128xf32, #tpu.memory_space<hbm>>
    tpu.enqueue_indirect_dma source(%dma_start3A_537 : memref<270336x128xf32, #tpu.memory_space<hbm>>) target(%arg7 : memref<256x128xf32, #tpu.memory_space<vmem>>) offsets(%dma_start3A_534 : memref<256xi32, #tpu.memory_space<vmem>>) semaphore(%arg9 : memref<!tpu.dma_semaphore, #tpu.memory_space<semaphore_mem>>)
    %dma_wait3A_538 = arith.constant 6400 : i32
    %dma_wait3A_539 = tpu.memref_slice %arg6[%dma_wait3A_538] : memref<8192xi32, #tpu.memory_space<vmem>> -> memref<256xi32, #tpu.memory_space<vmem>>
    %dma_wait3A_540 = arith.constant 0 : i32
    %dma_wait3A_541 = arith.constant 0 : i32
    %dma_wait3A_542 = tpu.memref_slice %arg3[%dma_wait3A_540, %dma_wait3A_541] : memref<270336x128xf32, #tpu.memory_space<hbm>> -> memref<270336x128xf32, #tpu.memory_space<hbm>>
    tpu.wait_indirect_dma semaphore(%arg10 : memref<!tpu.dma_semaphore, #tpu.memory_space<semaphore_mem>>) src(%dma_wait3A_542 : memref<270336x128xf32, #tpu.memory_space<hbm>>) dst(%arg8 : memref<256x128xf32, #tpu.memory_space<vmem>>)
    %add3A_543 = arith.constant 6400 : i32
    %add3A_544 = arith.addi %mul3A_29, %add3A_543 : i32
    %dma_start3A_545 = arith.constant 0 : i32
    %dma_start3A_546 = tpu.memref_slice %arg4[%add3A_544, %dma_start3A_545] : memref<262144x128xf32, #tpu.memory_space<hbm>> -> memref<256x128xf32, #tpu.memory_space<hbm>>
    %dma_start3A_547 = arith.constant 0 : i32
    %dma_start3A_548 = tpu.memref_slice %arg4[%add3A_544, %dma_start3A_547] : memref<262144x128xf32, #tpu.memory_space<hbm>> -> memref<256x128xf32, #tpu.memory_space<hbm>>
    tpu.enqueue_dma source(%arg8 : memref<256x128xf32, #tpu.memory_space<vmem>>) target(%dma_start3A_548 : memref<256x128xf32, #tpu.memory_space<hbm>>) target_semaphore(%arg12 : memref<!tpu.dma_semaphore, #tpu.memory_space<semaphore_mem>>)
    %dma_wait3A_549 = arith.constant 0 : i32
    %dma_wait3A_550 = tpu.memref_slice %arg4[%add3A_544, %dma_wait3A_549] : memref<262144x128xf32, #tpu.memory_space<hbm>> -> memref<256x128xf32, #tpu.memory_space<hbm>>
    %dma_wait3A_551 = arith.constant 0 : i32
    %dma_wait3A_552 = tpu.memref_slice %arg4[%add3A_544, %dma_wait3A_551] : memref<262144x128xf32, #tpu.memory_space<hbm>> -> memref<256x128xf32, #tpu.memory_space<hbm>>
    tpu.wait_dma2 semaphore(%arg12 : memref<!tpu.dma_semaphore, #tpu.memory_space<semaphore_mem>>) src(%arg8 : memref<256x128xf32, #tpu.memory_space<vmem>>) dst(%dma_wait3A_552 : memref<256x128xf32, #tpu.memory_space<hbm>>)
    %dma_start3A_553 = arith.constant 6912 : i32
    %dma_start3A_554 = tpu.memref_slice %arg6[%dma_start3A_553] : memref<8192xi32, #tpu.memory_space<vmem>> -> memref<256xi32, #tpu.memory_space<vmem>>
    %dma_start3A_555 = arith.constant 0 : i32
    %dma_start3A_556 = arith.constant 0 : i32
    %dma_start3A_557 = tpu.memref_slice %arg3[%dma_start3A_555, %dma_start3A_556] : memref<270336x128xf32, #tpu.memory_space<hbm>> -> memref<270336x128xf32, #tpu.memory_space<hbm>>
    tpu.enqueue_indirect_dma source(%dma_start3A_557 : memref<270336x128xf32, #tpu.memory_space<hbm>>) target(%arg8 : memref<256x128xf32, #tpu.memory_space<vmem>>) offsets(%dma_start3A_554 : memref<256xi32, #tpu.memory_space<vmem>>) semaphore(%arg10 : memref<!tpu.dma_semaphore, #tpu.memory_space<semaphore_mem>>)
    %dma_wait3A_558 = arith.constant 6656 : i32
    %dma_wait3A_559 = tpu.memref_slice %arg6[%dma_wait3A_558] : memref<8192xi32, #tpu.memory_space<vmem>> -> memref<256xi32, #tpu.memory_space<vmem>>
    %dma_wait3A_560 = arith.constant 0 : i32
    %dma_wait3A_561 = arith.constant 0 : i32
    %dma_wait3A_562 = tpu.memref_slice %arg3[%dma_wait3A_560, %dma_wait3A_561] : memref<270336x128xf32, #tpu.memory_space<hbm>> -> memref<270336x128xf32, #tpu.memory_space<hbm>>
    tpu.wait_indirect_dma semaphore(%arg9 : memref<!tpu.dma_semaphore, #tpu.memory_space<semaphore_mem>>) src(%dma_wait3A_562 : memref<270336x128xf32, #tpu.memory_space<hbm>>) dst(%arg7 : memref<256x128xf32, #tpu.memory_space<vmem>>)
    %add3A_563 = arith.constant 6656 : i32
    %add3A_564 = arith.addi %mul3A_29, %add3A_563 : i32
    %dma_start3A_565 = arith.constant 0 : i32
    %dma_start3A_566 = tpu.memref_slice %arg4[%add3A_564, %dma_start3A_565] : memref<262144x128xf32, #tpu.memory_space<hbm>> -> memref<256x128xf32, #tpu.memory_space<hbm>>
    %dma_start3A_567 = arith.constant 0 : i32
    %dma_start3A_568 = tpu.memref_slice %arg4[%add3A_564, %dma_start3A_567] : memref<262144x128xf32, #tpu.memory_space<hbm>> -> memref<256x128xf32, #tpu.memory_space<hbm>>
    tpu.enqueue_dma source(%arg7 : memref<256x128xf32, #tpu.memory_space<vmem>>) target(%dma_start3A_568 : memref<256x128xf32, #tpu.memory_space<hbm>>) target_semaphore(%arg11 : memref<!tpu.dma_semaphore, #tpu.memory_space<semaphore_mem>>)
    %dma_wait3A_569 = arith.constant 0 : i32
    %dma_wait3A_570 = tpu.memref_slice %arg4[%add3A_564, %dma_wait3A_569] : memref<262144x128xf32, #tpu.memory_space<hbm>> -> memref<256x128xf32, #tpu.memory_space<hbm>>
    %dma_wait3A_571 = arith.constant 0 : i32
    %dma_wait3A_572 = tpu.memref_slice %arg4[%add3A_564, %dma_wait3A_571] : memref<262144x128xf32, #tpu.memory_space<hbm>> -> memref<256x128xf32, #tpu.memory_space<hbm>>
    tpu.wait_dma2 semaphore(%arg11 : memref<!tpu.dma_semaphore, #tpu.memory_space<semaphore_mem>>) src(%arg7 : memref<256x128xf32, #tpu.memory_space<vmem>>) dst(%dma_wait3A_572 : memref<256x128xf32, #tpu.memory_space<hbm>>)
    %dma_start3A_573 = arith.constant 7168 : i32
    %dma_start3A_574 = tpu.memref_slice %arg6[%dma_start3A_573] : memref<8192xi32, #tpu.memory_space<vmem>> -> memref<256xi32, #tpu.memory_space<vmem>>
    %dma_start3A_575 = arith.constant 0 : i32
    %dma_start3A_576 = arith.constant 0 : i32
    %dma_start3A_577 = tpu.memref_slice %arg3[%dma_start3A_575, %dma_start3A_576] : memref<270336x128xf32, #tpu.memory_space<hbm>> -> memref<270336x128xf32, #tpu.memory_space<hbm>>
    tpu.enqueue_indirect_dma source(%dma_start3A_577 : memref<270336x128xf32, #tpu.memory_space<hbm>>) target(%arg7 : memref<256x128xf32, #tpu.memory_space<vmem>>) offsets(%dma_start3A_574 : memref<256xi32, #tpu.memory_space<vmem>>) semaphore(%arg9 : memref<!tpu.dma_semaphore, #tpu.memory_space<semaphore_mem>>)
    %dma_wait3A_578 = arith.constant 6912 : i32
    %dma_wait3A_579 = tpu.memref_slice %arg6[%dma_wait3A_578] : memref<8192xi32, #tpu.memory_space<vmem>> -> memref<256xi32, #tpu.memory_space<vmem>>
    %dma_wait3A_580 = arith.constant 0 : i32
    %dma_wait3A_581 = arith.constant 0 : i32
    %dma_wait3A_582 = tpu.memref_slice %arg3[%dma_wait3A_580, %dma_wait3A_581] : memref<270336x128xf32, #tpu.memory_space<hbm>> -> memref<270336x128xf32, #tpu.memory_space<hbm>>
    tpu.wait_indirect_dma semaphore(%arg10 : memref<!tpu.dma_semaphore, #tpu.memory_space<semaphore_mem>>) src(%dma_wait3A_582 : memref<270336x128xf32, #tpu.memory_space<hbm>>) dst(%arg8 : memref<256x128xf32, #tpu.memory_space<vmem>>)
    %add3A_583 = arith.constant 6912 : i32
    %add3A_584 = arith.addi %mul3A_29, %add3A_583 : i32
    %dma_start3A_585 = arith.constant 0 : i32
    %dma_start3A_586 = tpu.memref_slice %arg4[%add3A_584, %dma_start3A_585] : memref<262144x128xf32, #tpu.memory_space<hbm>> -> memref<256x128xf32, #tpu.memory_space<hbm>>
    %dma_start3A_587 = arith.constant 0 : i32
    %dma_start3A_588 = tpu.memref_slice %arg4[%add3A_584, %dma_start3A_587] : memref<262144x128xf32, #tpu.memory_space<hbm>> -> memref<256x128xf32, #tpu.memory_space<hbm>>
    tpu.enqueue_dma source(%arg8 : memref<256x128xf32, #tpu.memory_space<vmem>>) target(%dma_start3A_588 : memref<256x128xf32, #tpu.memory_space<hbm>>) target_semaphore(%arg12 : memref<!tpu.dma_semaphore, #tpu.memory_space<semaphore_mem>>)
    %dma_wait3A_589 = arith.constant 0 : i32
    %dma_wait3A_590 = tpu.memref_slice %arg4[%add3A_584, %dma_wait3A_589] : memref<262144x128xf32, #tpu.memory_space<hbm>> -> memref<256x128xf32, #tpu.memory_space<hbm>>
    %dma_wait3A_591 = arith.constant 0 : i32
    %dma_wait3A_592 = tpu.memref_slice %arg4[%add3A_584, %dma_wait3A_591] : memref<262144x128xf32, #tpu.memory_space<hbm>> -> memref<256x128xf32, #tpu.memory_space<hbm>>
    tpu.wait_dma2 semaphore(%arg12 : memref<!tpu.dma_semaphore, #tpu.memory_space<semaphore_mem>>) src(%arg8 : memref<256x128xf32, #tpu.memory_space<vmem>>) dst(%dma_wait3A_592 : memref<256x128xf32, #tpu.memory_space<hbm>>)
    %dma_start3A_593 = arith.constant 7424 : i32
    %dma_start3A_594 = tpu.memref_slice %arg6[%dma_start3A_593] : memref<8192xi32, #tpu.memory_space<vmem>> -> memref<256xi32, #tpu.memory_space<vmem>>
    %dma_start3A_595 = arith.constant 0 : i32
    %dma_start3A_596 = arith.constant 0 : i32
    %dma_start3A_597 = tpu.memref_slice %arg3[%dma_start3A_595, %dma_start3A_596] : memref<270336x128xf32, #tpu.memory_space<hbm>> -> memref<270336x128xf32, #tpu.memory_space<hbm>>
    tpu.enqueue_indirect_dma source(%dma_start3A_597 : memref<270336x128xf32, #tpu.memory_space<hbm>>) target(%arg8 : memref<256x128xf32, #tpu.memory_space<vmem>>) offsets(%dma_start3A_594 : memref<256xi32, #tpu.memory_space<vmem>>) semaphore(%arg10 : memref<!tpu.dma_semaphore, #tpu.memory_space<semaphore_mem>>)
    %dma_wait3A_598 = arith.constant 7168 : i32
    %dma_wait3A_599 = tpu.memref_slice %arg6[%dma_wait3A_598] : memref<8192xi32, #tpu.memory_space<vmem>> -> memref<256xi32, #tpu.memory_space<vmem>>
    %dma_wait3A_600 = arith.constant 0 : i32
    %dma_wait3A_601 = arith.constant 0 : i32
    %dma_wait3A_602 = tpu.memref_slice %arg3[%dma_wait3A_600, %dma_wait3A_601] : memref<270336x128xf32, #tpu.memory_space<hbm>> -> memref<270336x128xf32, #tpu.memory_space<hbm>>
    tpu.wait_indirect_dma semaphore(%arg9 : memref<!tpu.dma_semaphore, #tpu.memory_space<semaphore_mem>>) src(%dma_wait3A_602 : memref<270336x128xf32, #tpu.memory_space<hbm>>) dst(%arg7 : memref<256x128xf32, #tpu.memory_space<vmem>>)
    %add3A_603 = arith.constant 7168 : i32
    %add3A_604 = arith.addi %mul3A_29, %add3A_603 : i32
    %dma_start3A_605 = arith.constant 0 : i32
    %dma_start3A_606 = tpu.memref_slice %arg4[%add3A_604, %dma_start3A_605] : memref<262144x128xf32, #tpu.memory_space<hbm>> -> memref<256x128xf32, #tpu.memory_space<hbm>>
    %dma_start3A_607 = arith.constant 0 : i32
    %dma_start3A_608 = tpu.memref_slice %arg4[%add3A_604, %dma_start3A_607] : memref<262144x128xf32, #tpu.memory_space<hbm>> -> memref<256x128xf32, #tpu.memory_space<hbm>>
    tpu.enqueue_dma source(%arg7 : memref<256x128xf32, #tpu.memory_space<vmem>>) target(%dma_start3A_608 : memref<256x128xf32, #tpu.memory_space<hbm>>) target_semaphore(%arg11 : memref<!tpu.dma_semaphore, #tpu.memory_space<semaphore_mem>>)
    %dma_wait3A_609 = arith.constant 0 : i32
    %dma_wait3A_610 = tpu.memref_slice %arg4[%add3A_604, %dma_wait3A_609] : memref<262144x128xf32, #tpu.memory_space<hbm>> -> memref<256x128xf32, #tpu.memory_space<hbm>>
    %dma_wait3A_611 = arith.constant 0 : i32
    %dma_wait3A_612 = tpu.memref_slice %arg4[%add3A_604, %dma_wait3A_611] : memref<262144x128xf32, #tpu.memory_space<hbm>> -> memref<256x128xf32, #tpu.memory_space<hbm>>
    tpu.wait_dma2 semaphore(%arg11 : memref<!tpu.dma_semaphore, #tpu.memory_space<semaphore_mem>>) src(%arg7 : memref<256x128xf32, #tpu.memory_space<vmem>>) dst(%dma_wait3A_612 : memref<256x128xf32, #tpu.memory_space<hbm>>)
    %dma_start3A_613 = arith.constant 7680 : i32
    %dma_start3A_614 = tpu.memref_slice %arg6[%dma_start3A_613] : memref<8192xi32, #tpu.memory_space<vmem>> -> memref<256xi32, #tpu.memory_space<vmem>>
    %dma_start3A_615 = arith.constant 0 : i32
    %dma_start3A_616 = arith.constant 0 : i32
    %dma_start3A_617 = tpu.memref_slice %arg3[%dma_start3A_615, %dma_start3A_616] : memref<270336x128xf32, #tpu.memory_space<hbm>> -> memref<270336x128xf32, #tpu.memory_space<hbm>>
    tpu.enqueue_indirect_dma source(%dma_start3A_617 : memref<270336x128xf32, #tpu.memory_space<hbm>>) target(%arg7 : memref<256x128xf32, #tpu.memory_space<vmem>>) offsets(%dma_start3A_614 : memref<256xi32, #tpu.memory_space<vmem>>) semaphore(%arg9 : memref<!tpu.dma_semaphore, #tpu.memory_space<semaphore_mem>>)
    %dma_wait3A_618 = arith.constant 7424 : i32
    %dma_wait3A_619 = tpu.memref_slice %arg6[%dma_wait3A_618] : memref<8192xi32, #tpu.memory_space<vmem>> -> memref<256xi32, #tpu.memory_space<vmem>>
    %dma_wait3A_620 = arith.constant 0 : i32
    %dma_wait3A_621 = arith.constant 0 : i32
    %dma_wait3A_622 = tpu.memref_slice %arg3[%dma_wait3A_620, %dma_wait3A_621] : memref<270336x128xf32, #tpu.memory_space<hbm>> -> memref<270336x128xf32, #tpu.memory_space<hbm>>
    tpu.wait_indirect_dma semaphore(%arg10 : memref<!tpu.dma_semaphore, #tpu.memory_space<semaphore_mem>>) src(%dma_wait3A_622 : memref<270336x128xf32, #tpu.memory_space<hbm>>) dst(%arg8 : memref<256x128xf32, #tpu.memory_space<vmem>>)
    %add3A_623 = arith.constant 7424 : i32
    %add3A_624 = arith.addi %mul3A_29, %add3A_623 : i32
    %dma_start3A_625 = arith.constant 0 : i32
    %dma_start3A_626 = tpu.memref_slice %arg4[%add3A_624, %dma_start3A_625] : memref<262144x128xf32, #tpu.memory_space<hbm>> -> memref<256x128xf32, #tpu.memory_space<hbm>>
    %dma_start3A_627 = arith.constant 0 : i32
    %dma_start3A_628 = tpu.memref_slice %arg4[%add3A_624, %dma_start3A_627] : memref<262144x128xf32, #tpu.memory_space<hbm>> -> memref<256x128xf32, #tpu.memory_space<hbm>>
    tpu.enqueue_dma source(%arg8 : memref<256x128xf32, #tpu.memory_space<vmem>>) target(%dma_start3A_628 : memref<256x128xf32, #tpu.memory_space<hbm>>) target_semaphore(%arg12 : memref<!tpu.dma_semaphore, #tpu.memory_space<semaphore_mem>>)
    %dma_wait3A_629 = arith.constant 0 : i32
    %dma_wait3A_630 = tpu.memref_slice %arg4[%add3A_624, %dma_wait3A_629] : memref<262144x128xf32, #tpu.memory_space<hbm>> -> memref<256x128xf32, #tpu.memory_space<hbm>>
    %dma_wait3A_631 = arith.constant 0 : i32
    %dma_wait3A_632 = tpu.memref_slice %arg4[%add3A_624, %dma_wait3A_631] : memref<262144x128xf32, #tpu.memory_space<hbm>> -> memref<256x128xf32, #tpu.memory_space<hbm>>
    tpu.wait_dma2 semaphore(%arg12 : memref<!tpu.dma_semaphore, #tpu.memory_space<semaphore_mem>>) src(%arg8 : memref<256x128xf32, #tpu.memory_space<vmem>>) dst(%dma_wait3A_632 : memref<256x128xf32, #tpu.memory_space<hbm>>)
    %dma_start3A_633 = arith.constant 7936 : i32
    %dma_start3A_634 = tpu.memref_slice %arg6[%dma_start3A_633] : memref<8192xi32, #tpu.memory_space<vmem>> -> memref<256xi32, #tpu.memory_space<vmem>>
    %dma_start3A_635 = arith.constant 0 : i32
    %dma_start3A_636 = arith.constant 0 : i32
    %dma_start3A_637 = tpu.memref_slice %arg3[%dma_start3A_635, %dma_start3A_636] : memref<270336x128xf32, #tpu.memory_space<hbm>> -> memref<270336x128xf32, #tpu.memory_space<hbm>>
    tpu.enqueue_indirect_dma source(%dma_start3A_637 : memref<270336x128xf32, #tpu.memory_space<hbm>>) target(%arg8 : memref<256x128xf32, #tpu.memory_space<vmem>>) offsets(%dma_start3A_634 : memref<256xi32, #tpu.memory_space<vmem>>) semaphore(%arg10 : memref<!tpu.dma_semaphore, #tpu.memory_space<semaphore_mem>>)
    %dma_wait3A_638 = arith.constant 7680 : i32
    %dma_wait3A_639 = tpu.memref_slice %arg6[%dma_wait3A_638] : memref<8192xi32, #tpu.memory_space<vmem>> -> memref<256xi32, #tpu.memory_space<vmem>>
    %dma_wait3A_640 = arith.constant 0 : i32
    %dma_wait3A_641 = arith.constant 0 : i32
    %dma_wait3A_642 = tpu.memref_slice %arg3[%dma_wait3A_640, %dma_wait3A_641] : memref<270336x128xf32, #tpu.memory_space<hbm>> -> memref<270336x128xf32, #tpu.memory_space<hbm>>
    tpu.wait_indirect_dma semaphore(%arg9 : memref<!tpu.dma_semaphore, #tpu.memory_space<semaphore_mem>>) src(%dma_wait3A_642 : memref<270336x128xf32, #tpu.memory_space<hbm>>) dst(%arg7 : memref<256x128xf32, #tpu.memory_space<vmem>>)
    %add3A_643 = arith.constant 7680 : i32
    %add3A_644 = arith.addi %mul3A_29, %add3A_643 : i32
    %dma_start3A_645 = arith.constant 0 : i32
    %dma_start3A_646 = tpu.memref_slice %arg4[%add3A_644, %dma_start3A_645] : memref<262144x128xf32, #tpu.memory_space<hbm>> -> memref<256x128xf32, #tpu.memory_space<hbm>>
    %dma_start3A_647 = arith.constant 0 : i32
    %dma_start3A_648 = tpu.memref_slice %arg4[%add3A_644, %dma_start3A_647] : memref<262144x128xf32, #tpu.memory_space<hbm>> -> memref<256x128xf32, #tpu.memory_space<hbm>>
    tpu.enqueue_dma source(%arg7 : memref<256x128xf32, #tpu.memory_space<vmem>>) target(%dma_start3A_648 : memref<256x128xf32, #tpu.memory_space<hbm>>) target_semaphore(%arg11 : memref<!tpu.dma_semaphore, #tpu.memory_space<semaphore_mem>>)
    %dma_wait3A_649 = arith.constant 7936 : i32
    %dma_wait3A_650 = tpu.memref_slice %arg6[%dma_wait3A_649] : memref<8192xi32, #tpu.memory_space<vmem>> -> memref<256xi32, #tpu.memory_space<vmem>>
    %dma_wait3A_651 = arith.constant 0 : i32
    %dma_wait3A_652 = arith.constant 0 : i32
    %dma_wait3A_653 = tpu.memref_slice %arg3[%dma_wait3A_651, %dma_wait3A_652] : memref<270336x128xf32, #tpu.memory_space<hbm>> -> memref<270336x128xf32, #tpu.memory_space<hbm>>
    tpu.wait_indirect_dma semaphore(%arg10 : memref<!tpu.dma_semaphore, #tpu.memory_space<semaphore_mem>>) src(%dma_wait3A_653 : memref<270336x128xf32, #tpu.memory_space<hbm>>) dst(%arg8 : memref<256x128xf32, #tpu.memory_space<vmem>>)
    %add3A_654 = arith.constant 7936 : i32
    %add3A_655 = arith.addi %mul3A_29, %add3A_654 : i32
    "tpu.region"() ({
      %run_scoped3A = tpu.sem_alloc : memref<!tpu.dma_semaphore, #tpu.memory_space<semaphore_mem>>
      %dma_start3A_660 = arith.constant 0 : i32
      %dma_start3A_661 = tpu.memref_slice %arg4[%add3A_655, %dma_start3A_660] : memref<262144x128xf32, #tpu.memory_space<hbm>> -> memref<256x128xf32, #tpu.memory_space<hbm>>
      %dma_start3A_662 = arith.constant 0 : i32
      %dma_start3A_663 = tpu.memref_slice %arg4[%add3A_655, %dma_start3A_662] : memref<262144x128xf32, #tpu.memory_space<hbm>> -> memref<256x128xf32, #tpu.memory_space<hbm>>
      tpu.enqueue_dma source(%arg8 : memref<256x128xf32, #tpu.memory_space<vmem>>) target(%dma_start3A_663 : memref<256x128xf32, #tpu.memory_space<hbm>>) target_semaphore(%run_scoped3A : memref<!tpu.dma_semaphore, #tpu.memory_space<semaphore_mem>>)
      %dma_wait3A_664 = arith.constant 0 : i32
      %dma_wait3A_665 = tpu.memref_slice %arg4[%add3A_655, %dma_wait3A_664] : memref<262144x128xf32, #tpu.memory_space<hbm>> -> memref<256x128xf32, #tpu.memory_space<hbm>>
      %dma_wait3A_666 = arith.constant 0 : i32
      %dma_wait3A_667 = tpu.memref_slice %arg4[%add3A_655, %dma_wait3A_666] : memref<262144x128xf32, #tpu.memory_space<hbm>> -> memref<256x128xf32, #tpu.memory_space<hbm>>
      tpu.wait_dma2 semaphore(%run_scoped3A : memref<!tpu.dma_semaphore, #tpu.memory_space<semaphore_mem>>) src(%arg8 : memref<256x128xf32, #tpu.memory_space<vmem>>) dst(%dma_wait3A_667 : memref<256x128xf32, #tpu.memory_space<hbm>>)
      tpu.yield
    }) : () -> ()
    %dma_wait3A_656 = arith.constant 0 : i32
    %dma_wait3A_657 = tpu.memref_slice %arg4[%add3A_644, %dma_wait3A_656] : memref<262144x128xf32, #tpu.memory_space<hbm>> -> memref<256x128xf32, #tpu.memory_space<hbm>>
    %dma_wait3A_658 = arith.constant 0 : i32
    %dma_wait3A_659 = tpu.memref_slice %arg4[%add3A_644, %dma_wait3A_658] : memref<262144x128xf32, #tpu.memory_space<hbm>> -> memref<256x128xf32, #tpu.memory_space<hbm>>
    tpu.wait_dma2 semaphore(%arg11 : memref<!tpu.dma_semaphore, #tpu.memory_space<semaphore_mem>>) src(%arg7 : memref<256x128xf32, #tpu.memory_space<vmem>>) dst(%dma_wait3A_659 : memref<256x128xf32, #tpu.memory_space<hbm>>)
    return
  }
}

module attributes {stable_mosaic.version = 14 : i64} {
  func.func @_table_body(%arg0: i32, %arg1: memref<1x128x8192xf32, #tpu.memory_space<vmem>>, %arg2: memref<8192x128xf32, #tpu.memory_space<vmem>>) attributes {dimension_semantics = [#tpu.dimension_semantics<arbitrary>], iteration_bounds = array<i64: 33>, scalar_prefetch = 0 : i64, scratch_operands = 0 : i64, tpu.core_type = #tpu.core_type<tc>, window_params = [{transform_indices = @transform_0, window_bounds = array<i64: 1, 128, 8192>}, {transform_indices = @transform_1, window_bounds = array<i64: 8192, 128>}]} {
    %lt3A = arith.constant 32 : i32
    %lt3A_0 = arith.cmpi slt, %arg0, %lt3A : i32
    %convert_element_type3A = arith.extui %lt3A_0 : i1 to i32
    %cond3A = arith.constant 0 : i32
    %cond3A_1 = arith.cmpi ne, %convert_element_type3A, %cond3A : i32
    scf.if %cond3A_1 {
      %get3A = arith.constant 0 : index
      %get3A_6 = arith.constant 0 : index
      %get3A_7 = arith.constant 0 : index
      %get3A_8 = vector.load %arg1[%get3A, %get3A_6, %get3A_7] : memref<1x128x8192xf32, #tpu.memory_space<vmem>>, vector<1x128x8192xf32>
      %get3A_9 = vector.shape_cast %get3A_8 : vector<1x128x8192xf32> to vector<128x8192xf32>
      %transpose3A = tpu.transpose %get3A_9, [1, 0] : vector<128x8192xf32> -> vector<8192x128xf32>
      %swap3A = arith.constant 0 : index
      %swap3A_10 = arith.constant 0 : index
      %swap3A_11 = vector.load %arg2[%swap3A, %swap3A_10] : memref<8192x128xf32, #tpu.memory_space<vmem>>, vector<8192x128xf32>
      tpu.vector_store %arg2[%swap3A, %swap3A_10], %transpose3A {strides = array<i32>} : memref<8192x128xf32, #tpu.memory_space<vmem>>, vector<8192x128xf32>,
    } else {
    }
    %eq3A = arith.constant 32 : i32
    %eq3A_2 = arith.cmpi eq, %arg0, %eq3A : i32
    %convert_element_type3A_3 = arith.extui %eq3A_2 : i1 to i32
    %cond3A_4 = arith.constant 0 : i32
    %cond3A_5 = arith.cmpi ne, %convert_element_type3A_3, %cond3A_4 : i32
    scf.if %cond3A_5 {
      %broadcast_in_dim3A = arith.constant 0.000000e+00 : f32
      %broadcast_in_dim3A_6 = vector.broadcast %broadcast_in_dim3A : f32 to vector<8192x128xf32>
      %swap3A = arith.constant 0 : index
      %swap3A_7 = arith.constant 0 : index
      %swap3A_8 = vector.load %arg2[%swap3A, %swap3A_7] : memref<8192x128xf32, #tpu.memory_space<vmem>>, vector<8192x128xf32>
      tpu.vector_store %arg2[%swap3A, %swap3A_7], %broadcast_in_dim3A_6 {strides = array<i32>} : memref<8192x128xf32, #tpu.memory_space<vmem>>, vector<8192x128xf32>,
    } else {
    }
    return
  }
  func.func @transform_0(%arg0: i32) -> (i32, i32, i32) {
    %min3A = arith.constant 31 : i32
    %min3A_0 = arith.minsi %arg0, %min3A : i32
    %jit3A = arith.constant 4 : i32
    %div3A = arith.divsi %min3A_0, %jit3A : i32
    %sign3A = arith.constant 0 : i32
    %sign3A_1 = arith.cmpi sgt, %min3A_0, %sign3A : i32
    %sign3A_2 = arith.extui %sign3A_1 : i1 to i32
    %sign3A_3 = arith.constant 0 : i32
    %sign3A_4 = arith.cmpi slt, %min3A_0, %sign3A_3 : i32
    %sign3A_5 = arith.extui %sign3A_4 : i1 to i32
    %sign3A_6 = arith.subi %sign3A_2, %sign3A_5 : i32
    %sign3A_7 = arith.constant 0 : i32
    %sign3A_8 = arith.cmpi sgt, %jit3A, %sign3A_7 : i32
    %sign3A_9 = arith.extui %sign3A_8 : i1 to i32
    %sign3A_10 = arith.constant 0 : i32
    %sign3A_11 = arith.cmpi slt, %jit3A, %sign3A_10 : i32
    %sign3A_12 = arith.extui %sign3A_11 : i1 to i32
    %sign3A_13 = arith.subi %sign3A_9, %sign3A_12 : i32
    %ne3A = arith.cmpi ne, %sign3A_6, %sign3A_13 : i32
    %rem3A = arith.remsi %min3A_0, %jit3A : i32
    %ne3A_14 = arith.constant 0 : i32
    %ne3A_15 = arith.cmpi ne, %rem3A, %ne3A_14 : i32
    %and3A = arith.andi %ne3A, %ne3A_15 : i1
    %sub3A = arith.constant 1 : i32
    %sub3A_16 = arith.subi %div3A, %sub3A : i32
    %select_n3A = arith.select %and3A, %sub3A_16, %div3A : i32
    %min3A_17 = arith.constant 31 : i32
    %min3A_18 = arith.minsi %arg0, %min3A_17 : i32
    %jit3A_19 = arith.constant 4 : i32
    %eq3A = arith.constant 0 : i32
    %eq3A_20 = arith.cmpi eq, %jit3A_19, %eq3A : i32
    %jit3A_21 = arith.constant 1 : i32
    %select_n3A_22 = arith.select %eq3A_20, %jit3A_21, %jit3A_19 : i32
    %rem3A_23 = arith.remsi %min3A_18, %select_n3A_22 : i32
    %ne3A_24 = arith.constant 0 : i32
    %ne3A_25 = arith.cmpi ne, %rem3A_23, %ne3A_24 : i32
    %lt3A = arith.constant 0 : i32
    %lt3A_26 = arith.cmpi slt, %rem3A_23, %lt3A : i32
    %lt3A_27 = arith.constant 0 : i32
    %lt3A_28 = arith.cmpi slt, %select_n3A_22, %lt3A_27 : i32
    %ne3A_29 = arith.xori %lt3A_26, %lt3A_28 : i1
    %and3A_30 = arith.andi %ne3A_29, %ne3A_25 : i1
    %add3A = arith.addi %rem3A_23, %select_n3A_22 : i32
    %select_n3A_31 = arith.select %and3A_30, %add3A, %rem3A_23 : i32
    %c0_i32 = arith.constant 0 : i32
    %c0_i32_32 = arith.constant 0 : i32
    return %select_n3A, %c0_i32, %select_n3A_31 : i32, i32, i32
  }
  func.func @transform_1(%arg0: i32) -> (i32, i32) {
    %c0_i32 = arith.constant 0 : i32
    %c0_i32_0 = arith.constant 0 : i32
    return %arg0, %c0_i32 : i32, i32
  }
}

</mosaic_0001>

<sc_bundles>
// kernel: kernel.4.cloned.1.call-start
scs
__scs_entry_jumppad:
0x0: {  	(pc) =	sbr.rel $0x88, $3  }
0x1: {  	(tag) =	ssettag $0x0;
	lr =	simm.s32 $0x1  }
0x2: {  	[smem:$0x3F9F] =	sst lr;
	_ =	strace $0xD0000000  }
0x3: {  	_ = 	snop  }
0x4: {  	_ = 	snop  }
0x5: {  	_ = 	snop  }
0x6: {  	_ = 	snop  }
0x7: {  	_ = 	snop  }
__scs_overlays_trampoline_lowered:
0x8: {  	[smem:$0x3FAE] =	sst s0  }
0x9: {  	[smem:$0x3FAF] =	sst s1  }
0xa: {  	[smem:$0x3FB0] =	sst s2  }
0xb: {  	[smem:$0x3FB1] =	sst s3  }
0xc: {  	[smem:$0x3FB2] =	sst s4  }
0xd: {  	[smem:$0x3FB3] =	sst s5  }
0xe: {  	[smem:$0x3FB4] =	sst s6  }
0xf: {  	[smem:$0x3FB5] =	sst s7  }
0x10: {  	[smem:$0x3FB6] =	sst s8  }
0x11: {  	[smem:$0x3FB7] =	sst s9;
	s0 =	simm.s32 @!p0 $0x0  }
0x12: {  	s1 =	sld [smem:$0x3F9D];
	s0 =	simm.s32 @p0 $0x1  }
0x13: {  	[smem:$0x3FB8] =	sst s0;
	s0 =	simm.s32 @!p1 $0x0  }
0x14: {  	s2 =	sld [smem:$0x3F9C];
	s0 =	simm.s32 @p1 $0x1  }
0x15: {  	[smem:$0x3FB9] =	sst s0;
	s0 =	simm.s32 @!p2 $0x0  }
0x16: {  	s3 =	sld [smem:$0x3FDB];
	s0 =	simm.s32 @p2 $0x1  }
0x17: {  	s4 =	simm.s32 $0x1BF5;
	[smem:$0x3FBB] =	sst s0  }
0x18: {  	s0 =	sld [smem:$0x3F9E];
	_ =	swait.ge [sflag:s4], $0x0  }
0x19: {  	s7 =	sld [smem:$0x3F9F]  }
0x1a: {  	s8 =	sadd.s32 $0xFFFFE003, lr  }
0x1b: {  	s9 =	sadd.s32 $0xFFFFFEF7, lr;
	s5 =	simm.s32 $0xFFFFFFFF;
	p2 =	slt.u32 s8, $0xFFFFF086  }
0x1c: {  	p1 =	slt.u32 s9, $0xF7A;
	s5 =	simm.s32 @!p2 $0x0  }
0x1d: {  	s5 =	simm.s32 @p1 $0x1;
	p0 =	seq.s32 s7, s2  }
0x1e: {  	s7 =	smul.u32 @!p0 $0xF7A, s2;
	p2 =	seq.s32 @!p0 s5, $0x0  }
0x1f: {  	s9 =	smul.u32 $0xF7A, s1;
	s8 =	simm.s32 @!p0 $0x1BF5;
	p2 =	por !p2, p0  }
0x20: {  	[sflag:s8] =	ssyncset.s32 @!p0 $0xFFFFF086;
	s6 =	sadd.s32 @!p0 s3, s7;
	s7 =	simm.s32 @!p0 $0x108  }
0x21: {  	s3 =	sadd.s32 s3, s9;
	s6 =	sadd.s32 @!p0 $0x88, s6;
	s7 =	simm.s32 @p2 $0x1082  }
0x22: {  	[simem:s7], [sflag:s8] =	dma.local @!p0 [hbm:s6], $0xF7A  }
0x23: {  	s9 =	sor.u32 $0xD0000000, s2;
	s6 =	simm.s32 $0x108;
	_ =	swait.ge @!p0 [sflag:s8], $0x0  }
0x24: {  	s3 =	sadd.s32 $0x88, s3;
	s6 =	simm.s32 @!p1 $0x1082;
	[sflag:s4] =	ssyncset.s32 $0xFFFFF086  }
0x25: {  	[simem:s6], [sflag:s4] =	dma.local [hbm:s3], $0xF7A  }
0x26: {  	[smem:$0x3F9F] =	sst s1;
	(tag) =	ssettag s2;
	_ =	strace s9  }
0x27: {  	s1 =	sld [smem:$0x3FAF]  }
0x28: {  	s2 =	sld [smem:$0x3FB0]  }
0x29: {  	s4 =	sld [smem:$0x3FB2]  }
0x2a: {  	p0 =	seq.s32 s5, $0x0;
	s5 =	sld [smem:$0x3FB3]  }
0x2b: {  	s6 =	sld [smem:$0x3FB4]  }
0x2c: {  	s7 =	sld [smem:$0x3FB5]  }
0x2d: {  	s3 =	simm.s32 $0x108;
	s8 =	sld [smem:$0x3FB6]  }
0x2e: {  	s3 =	simm.s32 @!p0 $0x1082;
	s9 =	sld [smem:$0x3FB7]  }
0x2f: {  	lr =	sadd.s32 s0, s3;
	s0 =	sld [smem:$0x3FAE]  }
0x30: {  	s3 =	sld [smem:$0x3FB1]  }
0x31: {  	[smem:$0x3FBA] =	sst s10  }
0x32: {  	s10 =	sld [smem:$0x3FB8];
	_ =	sdelay $0x3  }
0x33: {  	p0 =	seq.s32 s10, $0x1;
	s10 =	sld [smem:$0x3FBA];
	_ =	sdelay $0x3  }
0x34: {  	[smem:$0x3FBA] =	sst s10  }
0x35: {  	s10 =	sld [smem:$0x3FB9];
	_ =	sdelay $0x3  }
0x36: {  	p1 =	seq.s32 s10, $0x1;
	s10 =	sld [smem:$0x3FBA];
	_ =	sdelay $0x3  }
0x37: {  	[smem:$0x3FBA] =	sst s10  }
0x38: {  	s10 =	sld [smem:$0x3FBB]  }
0x39: {  	_ = 	snop;
	(pc) =	sbr.ind lr, $3  }
0x3a: {  	_ = 	snop  }
0x3b: {  	_ = 	snop  }
0x3c: {  	p2 =	seq.s32 s10, $0x1;
	s10 =	sld [smem:$0x3FBA]  }
0x3d: {  	_ =	shalt  }
0x3e: {  	_ =	shalt  }
0x3f: {  	_ =	shalt  }
0x40: {  	_ =	shalt  }
0x41: {  	_ =	shalt  }
0x42: {  	_ =	shalt  }
0x43: {  	_ =	shalt  }
0x44: {  	_ =	shalt  }
0x45: {  	_ =	shalt  }
0x46: {  	_ =	shalt  }
0x47: {  	_ =	shalt  }
0x48: {  	_ =	shalt  }
0x49: {  	_ =	shalt  }
0x4a: {  	_ =	shalt  }
0x4b: {  	_ =	shalt  }
0x4c: {  	_ =	shalt  }
0x4d: {  	_ =	shalt  }
0x4e: {  	_ =	shalt  }
0x4f: {  	_ =	shalt  }
0x50: {  	_ =	shalt  }
0x51: {  	_ =	shalt  }
0x52: {  	_ =	shalt  }
0x53: {  	_ =	shalt  }
0x54: {  	_ =	shalt  }
0x55: {  	_ =	shalt  }
0x56: {  	_ =	shalt  }
0x57: {  	_ =	shalt  }
0x58: {  	_ =	shalt  }
0x59: {  	_ =	shalt  }
0x5a: {  	_ =	shalt  }
0x5b: {  	_ =	shalt  }
0x5c: {  	_ =	shalt  }
0x5d: {  	_ =	shalt  }
0x5e: {  	_ =	shalt  }
0x5f: {  	_ =	shalt  }
0x60: {  	_ =	shalt  }
0x61: {  	_ =	shalt  }
0x62: {  	_ =	shalt  }
0x63: {  	_ =	shalt  }
0x64: {  	_ =	shalt  }
0x65: {  	_ =	shalt  }
0x66: {  	_ =	shalt  }
0x67: {  	_ =	shalt  }
0x68: {  	_ =	shalt  }
0x69: {  	_ =	shalt  }
0x6a: {  	_ =	shalt  }
0x6b: {  	_ =	shalt  }
0x6c: {  	_ =	shalt  }
0x6d: {  	_ =	shalt  }
0x6e: {  	_ =	shalt  }
0x6f: {  	_ =	shalt  }
0x70: {  	_ =	shalt  }
0x71: {  	_ =	shalt  }
0x72: {  	_ =	shalt  }
0x73: {  	_ =	shalt  }
0x74: {  	_ =	shalt  }
0x75: {  	_ =	shalt  }
0x76: {  	_ =	shalt  }
0x77: {  	_ =	shalt  }
0x78: {  	_ =	shalt  }
0x79: {  	_ =	shalt  }
0x7a: {  	_ =	shalt  }
0x7b: {  	_ =	shalt  }
0x7c: {  	_ =	shalt  }
0x7d: {  	_ =	shalt  }
0x7e: {  	_ =	shalt  }
0x7f: {  	_ =	shalt  }
0x80: {  	_ =	shalt  }
0x81: {  	_ =	shalt  }
0x82: {  	_ =	shalt  }
0x83: {  	_ =	shalt  }
0x84: {  	_ =	shalt  }
0x85: {  	_ =	shalt  }
0x86: {  	_ =	shalt  }
0x87: {  	_ =	shalt  }
.Lfunc_end0:
.L_simem_size_0:
called_computation_lowered:
.L_overlay_start_0:
0x88: {  	s2 =	sld [smem:$0x3FD9]  }
0x89: {  	s3 =	sld [smem:$0x3FFE];
	_ =	sdelay $0x1  }
0x8a: {  	s1 =	srdreg.scid  }
0x8b: {  	s0 =	sand.u32 $0x1, s1  }
0x8c: {  	s17 =	sshll.u32 s0, $0xA;
	s2 =	sadd.s32 s3, s2  }
0x8d: {  	s2 =	sadd.s32 s2, s17  }
0x8e: {  	[smem:$0x3FC6] =	sst s2  }
0x8f: {  	_ = 	snop  }
0x90: {  	s2 =	sld [smem:$0x3FD0];
	(tm) =	ssettm $0x1  }
0x91: {  	s18 =	sld [smem:$0x3FFB];
	_ =	sdelay $0x3  }
0x92: {  	_ =	strace s18  }
0x93: {  	s3 =	sld [smem:$0x3FFC];
	_ =	sdelay $0x3  }
0x94: {  	_ =	strace s3  }
0x95: {  	s3 =	sld [smem:$0x3FFD];
	_ =	sdelay $0x3  }
0x96: {  	_ =	strace s3  }
0x97: {  	_ =	strace $0x8FFFFFFF  }
0x98: {  	s19 =	sld [smem:$0x3FDB];
	_ =	sdelay $0x1  }
0x99: {  	s4 =	simm.s32 $_scs_section_size  }
0x9a: {  	s5 =	simm.s32 $_size__tile_overlayer_lowered;
	s6 =	simm.s32 $_tile_overlayer_lowered  }
0x9b: {  	s22 =	simm.s32 $0x1BFF;
	s21 =	sshll.u32 s6, $0x1;
	s3 =	sadd.s32 s4, s19  }
0x9c: {  	s7 =	simm.s32 $0x0;
	s20 =	sshll.u32 s5, $0x1;
	s5 =	sadd.s32 s21, s3  }
0x9d: {  	[timem:s7], [sflag:s22] =	dma.local [hbm:s5], s20  }
0x9e: {  	_ =	swait.ge [sflag:s22], s20  }
0x9f: {  	s4 =	ssub.s32 $0x0, s20;
	[sflag:s22] =	ssyncset.done $0x0  }
0xa0: {  	[sflag:s22] =	ssyncadd.s32 s4;
	_ =	sdelay $0x1  }
0xa1: {  	s23 =	simm.s32 $0x1B8B  }
0xa2: {  	_ =	swait.ge [sflag:s23], $0x1  }
0xa3: {  	[sflag:s23] =	ssyncset.done $0x0  }
0xa4: {  	s25 =	simm.s32 $0x1B8E;
	s24 =	sld [smem:$0x3FFE];
	[sflag:s23] =	ssyncadd.s32 $0xFFFFFFFF  }
0xa5: {  	s26 =	simm.s32 $execute0_lowered;
	[smem:$0x3FD2] =	sst s25  }
0xa6: {  	s5 =	sshll.u32 s26, $0x1;
	_ =	strace $0x80000046;
	[dreg:$0x1] =	wrdreg $0xFFFFFFFF  }
0xa7: {  	s28 =	simm.s32 $_size_execute0_lowered;
	s3 =	sadd.s32 s3, s5;
	[dreg:$0x0] =	wrdreg $0x0  }
0xa8: {  	s5 =	sshll.u32 s28, $0x1;
	[dreg:$0x2] =	wrdreg s3  }
0xa9: {  	[dreg:$0x3] =	wrdreg s5  }
0xaa: {  	[dreg:$0x4] =	wrdreg $0xC0  }
0xab: {  	_ =	task [dreg:s7], $0x5FFFF  }
0xac: {  	[dreg:$0x1] =	wrdreg $0xFFFFFFFF  }
0xad: {  	[dreg:$0x0] =	wrdreg $0x60  }
0xae: {  	[dreg:$0x2] =	wrdreg s24  }
0xaf: {  	[dreg:$0x3] =	wrdreg s2  }
0xb0: {  	[dreg:$0x4] =	wrdreg $0x9  }
0xb1: {  	_ =	task.clear_ibuf [dreg:s7], $0x5FFFF;
	_ =	strace $0x90000046  }
0xb2: {  	s29 =	simm.s32 $0x9;
	_ =	strace $0x80000048  }
0xb3: {  	_ =	swait.ge [sflag:s29], $0x1  }
0xb4: {  	[sflag:s29] =	ssyncadd.s32 $0xFFFFFFFF  }
0xb5: {  	_ =	strace $0x90000048  }
0xb6: {  	_ =	sfence  }
0xb7: {  	s30 =	sld [smem:$0x0];
	_ =	sdelay $0x2  }
0xb8: {  	s31 =	sshll.u32 s1, $0xD;
	s1 =	sshrl.u32 s1, $0x2  }
0xb9: {  	s3 =	sand.u32 $0x4000, s31;
	s1 =	sadd.s32 s1, s30  }
0xba: {  	s0 =	sor.u32 s3, s0;
	s1 =	sshll.u32 s1, $0x11  }
0xbb: {  	s0 =	sor.u32 s1, s0  }
0xbc: {  	s0 =	sadd.s32 $0x8F2B, s0  }
0xbd: {  	[sflag:s0] =	ssyncadd.remote.s32 $0x1  }
0xbe: {  	_ =	sfence.sel $0xFFFF  }
0xbf: {  	[dreg:$0x0] =	wrdreg $0xFFFFFFFF;
	(pc) =	sbr.abs _section_cstart, $3  }
0xc0: {  	[dreg:$0x1] =	wrdreg $0xFFFFFFFF  }
0xc1: {  	_ =	task.clear_ibuf [dreg:s7], $0x2FFFF;
	_ =	strace $0x9FFFFFFF  }
0xc2: {  	(tm) =	ssettm $0x7FFFFFFF  }
0xc3: {  	_ =	shalt  }
tec
execute0_lowered:
.L_overlay_start_1:
0x0: {  	(tag) =	ssettag $0x1  }
0x1: {  	s0 =	srdreg.scid;
	s7 =	stileid.u32  }
0x2: {  	s0 =	sand.u32 $0x1, s0;
	s2 =	sshll.u32 s7, $0x1  }
0x3: {  	s5 =	sor.u32 s0, s2  }
0x4: {  	s4 =	rddreg [dreg:$0x1];
	s3 =	smul.u32 $0x180, s5;
	s5 =	sshll.u32 s5, $0x11  }
0x5: {  	s1 =	rddreg [dreg:$0x0];
	s2 =	simm.s32 $0x0;
	s4 =	sadd.s32 s4, s5  }
0x6: {  	[smem:$0x7FF] =	sst s2;
	s8 =	sadd.s32 $0x1000, s4  }
0x7: {  	_ =	strace $0x80000047;
	s9 =	sadd.s32 $0x2000, s4;
	[dreg:$0x4] =	wrdreg s8  }
0x8: {  	s10 =	sadd.s32 $0x3000, s4;
	[dreg:$0x5] =	wrdreg s9  }
0x9: {  	s11 =	sadd.s32 $0x4000, s4;
	[dreg:$0x6] =	wrdreg s10  }
0xa: {  	s12 =	sadd.s32 $0x5000, s4;
	[dreg:$0x7] =	wrdreg s11  }
0xb: {  	s26 =	sshll.u32 s7, $0xE;
	s13 =	sadd.s32 $0x6000, s4;
	[dreg:$0x8] =	wrdreg s12  }
0xc: {  	s0 =	ssub.s32 $0x2, s0;
	s14 =	sadd.s32 $0x7000, s4;
	[dreg:$0x9] =	wrdreg s13  }
0xd: {  	s19 =	sand.u32 $0x38000, s26;
	s15 =	sadd.s32 $0x8000, s4;
	[dreg:$0xa] =	wrdreg s14  }
0xe: {  	s25 =	sshrl.u32 s0, $0x1;
	s16 =	sadd.s32 $0x9000, s4;
	[dreg:$0xb] =	wrdreg s15  }
0xf: {  	v0 =	vmov s19;
	s19 =	simm.s32 $0x0;
	s17 =	sadd.s32 $0xA000, s4;
	[dreg:$0xc] =	wrdreg s16  }
0x10: {  	s0 =	ssub.s32 s0, s25;
	s18 =	sadd.s32 $0xB000, s4;
	[dreg:$0xd] =	wrdreg s17  }
0x11: {  	s6 =	sadd.s32 s3, s1;
	s20 =	sadd.s32 $0xC000, s4;
	[dreg:$0xe] =	wrdreg s18  }
0x12: {  	s3 =	sadd.s32 $0x3400, s1;
	s21 =	sadd.s32 $0xD000, s4;
	[dreg:$0xf] =	wrdreg s20  }
0x13: {  	s22 =	sadd.s32 $0xE000, s4;
	s23 =	sadd.s32 $0xF000, s4;
	[dreg:$0x10] =	wrdreg s21  }
0x14: {  	s24 =	sadd.s32 $0x10000, s4;
	s25 =	sadd.s32 $0x11000, s4;
	[dreg:$0x11] =	wrdreg s22  }
0x15: {  	s26 =	sadd.s32 $0x12000, s4;
	s28 =	sadd.s32 $0x15000, s4;
	[dreg:$0x12] =	wrdreg s23  }
0x16: {  	s29 =	sadd.s32 $0x16000, s4;
	s30 =	sadd.s32 $0x17000, s4;
	[dreg:$0x13] =	wrdreg s24  }
0x17: {  	s31 =	sadd.s32 $0x18000, s4;
	s1 =	sadd.s32 $0x19000, s4;
	[dreg:$0x14] =	wrdreg s25  }
0x18: {  	v2 =	vlaneseq.u32;
	s5 =	sadd.s32 $0x1B000, s4;
	s7 =	sadd.s32 $0x400, s6;
	[dreg:$0x15] =	wrdreg s26  }
0x19: {  	v1 =	vmul.u32 $0x3, v2;
	s24 =	smax.u32 s0, $0x1;
	s25 =	sadd.s32 $0x13000, s4;
	s26 =	sadd.s32 $0x14000, s4  }
0x1a: {  	v2 =	vmul.u32 $0x8, v2;
	s0 =	sadd.s32 $0x1A000, s4;
	s6 =	sadd.s32 $0x1C000, s4;
	s8 =	sadd.s32 $0x1E000, s4  }
0x1b: {  	v4 =	vimm.s32 $0x0;
	v5 =	vadd.s32 $0x1, v1;
	s9 =	sadd.s32 $0x1F000, s4;
	s10 =	simm.s32 $0x5;
	s11 =	simm.s32 $0xC00  }
0x1c: {  	v6 =	vadd.s32 $0x2, v1;
	v7 =	vor.u32 $0x1, v2;
	v8 =	vor.u32 $0x2, v2;
	s12 =	simm.s32 $0x100;
	s13 =	simm.s32 $0x2C00;
	s14 =	simm.s32 $0xAC00  }
0x1d: {  	v9 =	vor.u32 $0x3, v2;
	v10 =	vor.u32 $0x4, v2;
	v11 =	vor.u32 $0x5, v2;
	s15 =	simm.s32 $0x1;
	s16 =	simm.s32 $0x3;
	s17 =	simm.s32 $0x2  }
0x1e: {  	v12 =	vor.u32 $0x6, v2;
	v13 =	vor.u32 $0x7, v2;
	v3 =	vor.u32 $0x400, v0;
	s18 =	simm.s32 $0x4;
	[dreg:$0x3] =	wrdreg s7;
	s7 =	sadd.s32 $0x1D000, s4  }
.LBB2_1:
0x1f: {  	v16 =	vadd.s32 s2, v5;
	s20 =	rddreg [dreg:$0x3]  }
0x20: {  	[tilespmem:s2], [sflag:$0x5] =	stream.linear.gather [hbm4b:s20+s2], $0xC00, $0x38;
	[tilespmem:$0x12C00] =	vst v63  }
0x21: {  	v15 =	vadd.s32 s2, v1;
	_ =	swait.ge [sflag:s10], $0xC00  }
0x22: {  	v14 =	vadd.s32 s2, v6;
	[sflag:s10] =	ssyncset.done $0x0  }
0x23: {  	[sflag:s10] =	ssyncadd.s32 $0xFFFFF400  }
0x24: {  	s21 =	simm.s32 $0x30;
	s22 =	simm.s32 $0x0;
	s20 =	simm.s32 $0x0;
	v16 =	vld.idx.msk [tilespmem:v16+s2+$0x0], $0xffff  }
.LBB2_2:
0x25: {  	p0 =	sne.s32 s21, $0xBD0  }
0x26: {  	v17 =	vld.idx.msk [tilespmem:v15+s2+$0x0], $0xffff;
	s22 =	sadd.s32 $0x80, s22;
	s23 =	smov.u32 s21;
	s21 =	sadd.s32 $0x30, s21  }
0x27: {  	v18 =	vld.idx.msk [tilespmem:v14+s2+$0x0], $0xffff;
	_ =	sdelay $0x1  }
0x28: {  	v15 =	vadd.s32 s23, v1;
	v19 =	vadd.s32 s23, v5  }
0x29: {  	v14 =	vadd.s32 s23, v6  }
0x2a: {  	v20 =	vor.u32 s20, v12;
	v21 =	vor.u32 s20, v13;
	v16 =	vmul.f32 $1.600000000e+01, v16  }
0x2b: {  	v22 =	vor.u32 s20, v10;
	v23 =	vor.u32 s20, v11;
	v17 =	vmul.f32 $1.600000000e+01, v17  }
0x2c: {  	v24 =	vor.u32 s20, v9;
	v16 =	vadd.f32 $1.600000000e+01, v16;
	v18 =	vmul.f32 $1.600000000e+01, v18  }
0x2d: {  	v25 =	vor.u32 s20, v7;
	v26 =	vor.u32 s20, v8;
	v17 =	vadd.f32 $1.600000000e+01, v17  }
0x2e: {  	v28 =	vor.u32 s20, v2;
	s20 =	smov.u32 s22;
	v27 =	vtrunc.f32 v16;
	v18 =	vadd.f32 $1.600000000e+01, v18  }
0x2f: {  	v29 =	vtrunc.f32 v17;
	v30 =	vcvt.f32.s32 v27;
	vm0 =	vlt.f32 v16, v27  }
0x30: {  	v16 =	vcvt.f32.s32 v29;
	vm1 =	vlt.f32 v17, v29;
	v17 =	vsel vm0, $0xFFFFFFFF, v4  }
0x31: {  	v29 =	vtrunc.f32 v18;
	v27 =	vsel vm1, $0xFFFFFFFF, v4;
	v17 =	vadd.s32 v30, v17  }
0x32: {  	v30 =	vcvt.f32.s32 v29;
	v16 =	vadd.s32 v16, v27;
	v27 =	vadd.s32 $0x1, v17  }
0x33: {  	v32 =	vshll.u32 v17, $0x5;
	v31 =	vshll.u32 v16, $0xA;
	v33 =	vor.u32 v16, v17  }
0x34: {  	vm0 =	vlt.f32 v18, v29;
	v18 =	vadd.s32 v0, v31;
	v29 =	vadd.s32 v3, v31  }
0x35: {  	v34 =	vsel vm0, $0xFFFFFFFF, v4;
	v31 =	vadd.s32 $0x20, v32;
	v35 =	vadd.s32 v32, v18  }
0x36: {  	v36 =	vadd.s32 $0x1, v16;
	v30 =	vadd.s32 v30, v34;
	v32 =	vadd.s32 v32, v29  }
0x37: {  	v34 =	vadd.s32 $0x1, v30;
	v17 =	vor.u32 v17, v36;
	v18 =	vadd.s32 v18, v31  }
0x38: {  	v37 =	vor.u32 v30, v33;
	v33 =	vor.u32 v33, v34;
	v38 =	vadd.s32 v30, v32  }
0x39: {  	v16 =	vor.u32 v16, v27;
	vm0 =	vlt.u32 v33, $0x20;
	v33 =	vadd.s32 v34, v35  }
0x3a: {  	vm1 =	vlt.u32 v37, $0x20;
	v37 =	vadd.s32 v34, v18;
	v33 =	vnsel vm0, $0x40000, v33  }
0x3b: {  	v39 =	vor.u32 v34, v16;
	v35 =	vadd.s32 v30, v35;
	v18 =	vadd.s32 v30, v18  }
0x3c: {  	v16 =	vor.u32 v30, v16;
	vm0 =	vlt.u32 v39, $0x20;
	v39 =	vor.u32 v30, v17  }
0x3d: {  	v35 =	vnsel vm1, $0x40000, v35;
	v37 =	vnsel vm0, $0x40000, v37;
	vm0 =	vlt.u32 v39, $0x20  }
0x3e: {  	vm1 =	vlt.u32 v16, $0x20;
	v17 =	vor.u32 v17, v34;
	v16 =	vnsel vm0, $0x40000, v38;
	[tilespmem:v28+s11+$0x0] =	vst.idx.msk $0xffff, v35  }
0x3f: {  	v18 =	vnsel vm1, $0x40000, v18;
	vm0 =	vlt.u32 v17, $0x20;
	v17 =	vadd.s32 v34, v32;
	[tilespmem:v25+s11+$0x0] =	vst.idx.msk $0xffff, v33  }
0x40: {  	v17 =	vnsel vm0, $0x40000, v17;
	v25 =	vadd.s32 v31, v29;
	[tilespmem:v26+s11+$0x0] =	vst.idx.msk $0xffff, v18;
	v18 =	vor.u32 v36, v27  }
0x41: {  	[tilespmem:v24+s11+$0x0] =	vst.idx.msk $0xffff, v37;
	v24 =	vor.u32 v30, v18;
	v18 =	vor.u32 v34, v18  }
.Ltmp0:
0x42: {  	[tilespmem:v22+s11+$0x0] =	vst.idx.msk $0xffff, v16;
	vm0 =	vlt.u32 v24, $0x20;
	v16 =	vadd.s32 v30, v25;
	vm1 =	vlt.u32 v18, $0x20;
	(pc) =	sbr.rel @p0 .LBB2_2-.Ltmp0, $4  }
0x43: {  	[tilespmem:v23+s11+$0x0] =	vst.idx.msk $0xffff, v17;
	v16 =	vnsel vm0, $0x40000, v16;
	v17 =	vadd.s32 v34, v25  }
0x44: {  	[tilespmem:v20+s11+$0x0] =	vst.idx.msk $0xffff, v16;
	v16 =	vnsel vm1, $0x40000, v17  }
0x45: {  	[tilespmem:v21+s11+$0x0] =	vst.idx.msk $0xffff, v16  }
0x46: {  	v16 =	vld.idx.msk [tilespmem:v19+s2+$0x0], $0xffff  }
0x47: {  	_ =	sdelay $0x3  }
0x48: {  	v15 =	vld.idx.msk [tilespmem:v15+s2+$0x0], $0xffff  }
0x49: {  	v14 =	vld.idx.msk [tilespmem:v14+s2+$0x0], $0xffff;
	_ =	sdelay $0x2  }
0x4a: {  	v16 =	vmul.f32 $1.600000000e+01, v16  }
0x4b: {  	v17 =	vor.u32 s20, v12;
	v18 =	vor.u32 s20, v13;
	v15 =	vmul.f32 $1.600000000e+01, v15  }
0x4c: {  	v19 =	vor.u32 s20, v10;
	v14 =	vmul.f32 $1.600000000e+01, v14;
	v16 =	vadd.f32 $1.600000000e+01, v16  }
0x4d: {  	v20 =	vor.u32 s20, v11;
	v21 =	vor.u32 s20, v9;
	v15 =	vadd.f32 $1.600000000e+01, v15  }
0x4e: {  	v22 =	vor.u32 s20, v7;
	v14 =	vadd.f32 $1.600000000e+01, v14;
	v24 =	vtrunc.f32 v16  }
0x4f: {  	v23 =	vor.u32 s20, v8;
	v25 =	vtrunc.f32 v15;
	v26 =	vcvt.f32.s32 v24  }
0x50: {  	vm0 =	vlt.f32 v16, v24;
	v51 =	vtrunc.f32 v14;
	v50 =	vcvt.f32.s32 v25  }
0x51: {  	vm1 =	vlt.f32 v15, v25;
	v15 =	vor.u32 s20, v2;
	v24 =	vsel vm0, $0xFFFFFFFF, v4  }
0x52: {  	v27 =	vcvt.f32.s32 v51;
	vm7 =	vlt.f32 v14, v51;
	v25 =	vsel vm1, $0xFFFFFFFF, v4  }
0x53: {  	v24 =	vadd.s32 v26, v24;
	v54 =	vsel vm7, $0xFFFFFFFF, v4;
	v16 =	vadd.s32 v50, v25  }
0x54: {  	v52 =	vadd.s32 $0x1, v24;
	v29 =	vshll.u32 v24, $0x5;
	v27 =	vadd.s32 v27, v54  }
0x55: {  	v28 =	vshll.u32 v16, $0xA;
	v30 =	vor.u32 v16, v24;
	v31 =	vadd.s32 $0x20, v29  }
0x56: {  	v55 =	vadd.s32 $0x1, v16;
	v33 =	vadd.s32 $0x1, v27;
	v16 =	vor.u32 v16, v52  }
0x57: {  	v14 =	vadd.s32 v0, v28;
	v53 =	vadd.s32 v3, v28;
	v24 =	vor.u32 v24, v55  }
0x58: {  	v34 =	vor.u32 v30, v33;
	v30 =	vor.u32 v27, v30;
	v36 =	vor.u32 v33, v16  }
0x59: {  	v16 =	vor.u32 v27, v16;
	v32 =	vadd.s32 v29, v14;
	v29 =	vadd.s32 v29, v53  }
0x5a: {  	v14 =	vadd.s32 v14, v31;
	vm8 =	vlt.u32 v34, $0x20;
	vm9 =	vlt.u32 v30, $0x20  }
0x5b: {  	vm10 =	vlt.u32 v36, $0x20;
	v59 =	vor.u32 v27, v24;
	vm12 =	vlt.u32 v16, $0x20  }
0x5c: {  	v60 =	vor.u32 v24, v33;
	v56 =	vadd.s32 v33, v32;
	v32 =	vadd.s32 v27, v32  }
0x5d: {  	v62 =	vadd.s32 v31, v53;
	v35 =	vadd.s32 v27, v29;
	v32 =	vnsel vm9, $0x40000, v32  }
0x5e: {  	v58 =	vadd.s32 v33, v14;
	v14 =	vadd.s32 v27, v14;
	v57 =	vnsel vm8, $0x40000, v56;
	[tilespmem:v15+s11+$0x0] =	vst.idx.msk $0xffff, v32  }
0x5f: {  	vm11 =	vlt.u32 v59, $0x20;
	vm13 =	vlt.u32 v60, $0x20;
	v14 =	vnsel vm12, $0x40000, v14;
	[tilespmem:v22+s11+$0x0] =	vst.idx.msk $0xffff, v57  }
0x60: {  	v61 =	vadd.s32 v33, v29;
	v34 =	vnsel vm10, $0x40000, v58;
	[tilespmem:v23+s11+$0x0] =	vst.idx.msk $0xffff, v14;
	v14 =	vor.u32 v55, v52  }
0x61: {  	v16 =	vnsel vm13, $0x40000, v61;
	v15 =	vnsel vm11, $0x40000, v35;
	[tilespmem:v21+s11+$0x0] =	vst.idx.msk $0xffff, v34;
	v63 =	vor.u32 v27, v14  }
0x62: {  	v14 =	vor.u32 v33, v14;
	[tilespmem:v19+s11+$0x0] =	vst.idx.msk $0xffff, v15;
	vm14 =	vlt.u32 v63, $0x20;
	v15 =	vadd.s32 v27, v62  }
0x63: {  	vm15 =	vlt.u32 v14, $0x20;
	[tilespmem:v20+s11+$0x0] =	vst.idx.msk $0xffff, v16;
	v14 =	vnsel vm14, $0x40000, v15;
	v15 =	vadd.s32 v33, v62  }
0x64: {  	[tilespmem:v17+s11+$0x0] =	vst.idx.msk $0xffff, v14;
	v14 =	vnsel vm15, $0x40000, v15  }
0x65: {  	[tilespmem:v18+s11+$0x0] =	vst.idx.msk $0xffff, v14  }
0x66: {  	[tilespmem:s13], [sflag:$0x1] =	stream.indirect.gather [hbm4b:s3+s12], $0x80, s11, s12, $0xb8;
	[tilespmem:$0x12C00] =	vst v63  }
0x67: {  	s23 =	simm.s32 $0xD00  }
0x68: {  	[tilespmem:s14], [sflag:$0x2] =	stream.indirect.gather [hbm4b:s3+s12], $0x80, s23, s12, $0xb8;
	[tilespmem:$0x12C00] =	vst v63  }
0x69: {  	_ =	swait.ge [sflag:s15], $0x8000  }
0x6a: {  	[sflag:s15] =	ssyncset.done $0x0  }
0x6b: {  	[sflag:s15] =	ssyncadd.s32 $0xFFFF8000  }
0x6c: {  	[hbm4b:s4+s2] =	stream.linear.scatter [tilespmem:s13], [sflag:$0x3], $0x8000, $0x38;
	[tilespmem:$0x12C00] =	vst v63  }
0x6d: {  	_ =	swait.ge [sflag:s16], $0x8000  }
0x6e: {  	[sflag:s16] =	ssyncset.done $0x0  }
0x6f: {  	s21 =	simm.s32 $0xE00;
	[sflag:s16] =	ssyncadd.s32 $0xFFFF8000  }
0x70: {  	[tilespmem:s13], [sflag:$0x1] =	stream.indirect.gather [hbm4b:s3+s12], $0x80, s21, s12, $0xb8;
	[tilespmem:$0x12C00] =	vst v63  }
0x71: {  	_ =	swait.ge [sflag:s17], $0x8000  }
0x72: {  	[sflag:s17] =	ssyncset.done $0x0  }
0x73: {  	s22 =	rddreg [dreg:$0x4];
	[sflag:s17] =	ssyncadd.s32 $0xFFFF8000  }
0x74: {  	[hbm4b:s22+s2] =	stream.linear.scatter [tilespmem:s14], [sflag:$0x4], $0x8000, $0x38;
	[tilespmem:$0x12C00] =	vst v63  }
0x75: {  	_ =	swait.ge [sflag:s18], $0x8000  }
0x76: {  	[sflag:s18] =	ssyncset.done $0x0  }
0x77: {  	s23 =	simm.s32 $0xF00;
	[sflag:s18] =	ssyncadd.s32 $0xFFFF8000  }
0x78: {  	[tilespmem:s14], [sflag:$0x2] =	stream.indirect.gather [hbm4b:s3+s12], $0x80, s23, s12, $0xb8;
	[tilespmem:$0x12C00] =	vst v63  }
0x79: {  	_ =	swait.ge [sflag:s15], $0x8000  }
0x7a: {  	[sflag:s15] =	ssyncset.done $0x0  }
0x7b: {  	s21 =	rddreg [dreg:$0x5];
	[sflag:s15] =	ssyncadd.s32 $0xFFFF8000  }
0x7c: {  	[hbm4b:s21+s2] =	stream.linear.scatter [tilespmem:s13], [sflag:$0x3], $0x8000, $0x38;
	[tilespmem:$0x12C00] =	vst v63  }
0x7d: {  	_ =	swait.ge [sflag:s16], $0x8000  }
0x7e: {  	[sflag:s16] =	ssyncset.done $0x0  }
0x7f: {  	s22 =	simm.s32 $0x1000;
	[sflag:s16] =	ssyncadd.s32 $0xFFFF8000  }
0x80: {  	[tilespmem:s13], [sflag:$0x1] =	stream.indirect.gather [hbm4b:s3+s12], $0x80, s22, s12, $0xb8;
	[tilespmem:$0x12C00] =	vst v63  }
0x81: {  	_ =	swait.ge [sflag:s17], $0x8000  }
0x82: {  	[sflag:s17] =	ssyncset.done $0x0  }
0x83: {  	s23 =	rddreg [dreg:$0x6];
	[sflag:s17] =	ssyncadd.s32 $0xFFFF8000  }
0x84: {  	[hbm4b:s23+s2] =	stream.linear.scatter [tilespmem:s14], [sflag:$0x4], $0x8000, $0x38;
	[tilespmem:$0x12C00] =	vst v63  }
0x85: {  	_ =	swait.ge [sflag:s18], $0x8000  }
0x86: {  	[sflag:s18] =	ssyncset.done $0x0  }
0x87: {  	s21 =	simm.s32 $0x1100;
	[sflag:s18] =	ssyncadd.s32 $0xFFFF8000  }
0x88: {  	[tilespmem:s14], [sflag:$0x2] =	stream.indirect.gather [hbm4b:s3+s12], $0x80, s21, s12, $0xb8;
	[tilespmem:$0x12C00] =	vst v63  }
0x89: {  	_ =	swait.ge [sflag:s15], $0x8000  }
0x8a: {  	[sflag:s15] =	ssyncset.done $0x0  }
0x8b: {  	s22 =	rddreg [dreg:$0x7];
	[sflag:s15] =	ssyncadd.s32 $0xFFFF8000  }
0x8c: {  	[hbm4b:s22+s2] =	stream.linear.scatter [tilespmem:s13], [sflag:$0x3], $0x8000, $0x38;
	[tilespmem:$0x12C00] =	vst v63  }
0x8d: {  	_ =	swait.ge [sflag:s16], $0x8000  }
0x8e: {  	[sflag:s16] =	ssyncset.done $0x0  }
0x8f: {  	s23 =	simm.s32 $0x1200;
	[sflag:s16] =	ssyncadd.s32 $0xFFFF8000  }
0x90: {  	[tilespmem:s13], [sflag:$0x1] =	stream.indirect.gather [hbm4b:s3+s12], $0x80, s23, s12, $0xb8;
	[tilespmem:$0x12C00] =	vst v63  }
0x91: {  	_ =	swait.ge [sflag:s17], $0x8000  }
0x92: {  	[sflag:s17] =	ssyncset.done $0x0  }
0x93: {  	s21 =	rddreg [dreg:$0x8];
	[sflag:s17] =	ssyncadd.s32 $0xFFFF8000  }
0x94: {  	[hbm4b:s21+s2] =	stream.linear.scatter [tilespmem:s14], [sflag:$0x4], $0x8000, $0x38;
	[tilespmem:$0x12C00] =	vst v63  }
0x95: {  	_ =	swait.ge [sflag:s18], $0x8000  }
0x96: {  	[sflag:s18] =	ssyncset.done $0x0  }
0x97: {  	s22 =	simm.s32 $0x1300;
	[sflag:s18] =	ssyncadd.s32 $0xFFFF8000  }
0x98: {  	[tilespmem:s14], [sflag:$0x2] =	stream.indirect.gather [hbm4b:s3+s12], $0x80, s22, s12, $0xb8;
	[tilespmem:$0x12C00] =	vst v63  }
0x99: {  	_ =	swait.ge [sflag:s15], $0x8000  }
0x9a: {  	[sflag:s15] =	ssyncset.done $0x0  }
0x9b: {  	s23 =	rddreg [dreg:$0x9];
	[sflag:s15] =	ssyncadd.s32 $0xFFFF8000  }
0x9c: {  	[hbm4b:s23+s2] =	stream.linear.scatter [tilespmem:s13], [sflag:$0x3], $0x8000, $0x38;
	[tilespmem:$0x12C00] =	vst v63  }
0x9d: {  	_ =	swait.ge [sflag:s16], $0x8000  }
0x9e: {  	[sflag:s16] =	ssyncset.done $0x0  }
0x9f: {  	s21 =	simm.s32 $0x1400;
	[sflag:s16] =	ssyncadd.s32 $0xFFFF8000  }
0xa0: {  	[tilespmem:s13], [sflag:$0x1] =	stream.indirect.gather [hbm4b:s3+s12], $0x80, s21, s12, $0xb8;
	[tilespmem:$0x12C00] =	vst v63  }
0xa1: {  	_ =	swait.ge [sflag:s17], $0x8000  }
0xa2: {  	[sflag:s17] =	ssyncset.done $0x0  }
0xa3: {  	s22 =	rddreg [dreg:$0xa];
	[sflag:s17] =	ssyncadd.s32 $0xFFFF8000  }
0xa4: {  	[hbm4b:s22+s2] =	stream.linear.scatter [tilespmem:s14], [sflag:$0x4], $0x8000, $0x38;
	[tilespmem:$0x12C00] =	vst v63  }
0xa5: {  	_ =	swait.ge [sflag:s18], $0x8000  }
0xa6: {  	[sflag:s18] =	ssyncset.done $0x0  }
0xa7: {  	s23 =	simm.s32 $0x1500;
	[sflag:s18] =	ssyncadd.s32 $0xFFFF8000  }
0xa8: {  	[tilespmem:s14], [sflag:$0x2] =	stream.indirect.gather [hbm4b:s3+s12], $0x80, s23, s12, $0xb8;
	[tilespmem:$0x12C00] =	vst v63  }
0xa9: {  	_ =	swait.ge [sflag:s15], $0x8000  }
0xaa: {  	[sflag:s15] =	ssyncset.done $0x0  }
0xab: {  	s21 =	rddreg [dreg:$0xb];
	[sflag:s15] =	ssyncadd.s32 $0xFFFF8000  }
0xac: {  	[hbm4b:s21+s2] =	stream.linear.scatter [tilespmem:s13], [sflag:$0x3], $0x8000, $0x38;
	[tilespmem:$0x12C00] =	vst v63  }
0xad: {  	_ =	swait.ge [sflag:s16], $0x8000  }
0xae: {  	[sflag:s16] =	ssyncset.done $0x0  }
0xaf: {  	s22 =	simm.s32 $0x1600;
	[sflag:s16] =	ssyncadd.s32 $0xFFFF8000  }
0xb0: {  	[tilespmem:s13], [sflag:$0x1] =	stream.indirect.gather [hbm4b:s3+s12], $0x80, s22, s12, $0xb8;
	[tilespmem:$0x12C00] =	vst v63  }
0xb1: {  	_ =	swait.ge [sflag:s17], $0x8000  }
0xb2: {  	[sflag:s17] =	ssyncset.done $0x0  }
0xb3: {  	s23 =	rddreg [dreg:$0xc];
	[sflag:s17] =	ssyncadd.s32 $0xFFFF8000  }
0xb4: {  	[hbm4b:s23+s2] =	stream.linear.scatter [tilespmem:s14], [sflag:$0x4], $0x8000, $0x38;
	[tilespmem:$0x12C00] =	vst v63  }
0xb5: {  	_ =	swait.ge [sflag:s18], $0x8000  }
0xb6: {  	[sflag:s18] =	ssyncset.done $0x0  }
0xb7: {  	s21 =	simm.s32 $0x1700;
	[sflag:s18] =	ssyncadd.s32 $0xFFFF8000  }
0xb8: {  	[tilespmem:s14], [sflag:$0x2] =	stream.indirect.gather [hbm4b:s3+s12], $0x80, s21, s12, $0xb8;
	[tilespmem:$0x12C00] =	vst v63  }
0xb9: {  	_ =	swait.ge [sflag:s15], $0x8000  }
0xba: {  	[sflag:s15] =	ssyncset.done $0x0  }
0xbb: {  	s22 =	rddreg [dreg:$0xd];
	[sflag:s15] =	ssyncadd.s32 $0xFFFF8000  }
0xbc: {  	[hbm4b:s22+s2] =	stream.linear.scatter [tilespmem:s13], [sflag:$0x3], $0x8000, $0x38;
	[tilespmem:$0x12C00] =	vst v63  }
0xbd: {  	_ =	swait.ge [sflag:s16], $0x8000  }
0xbe: {  	[sflag:s16] =	ssyncset.done $0x0  }
0xbf: {  	s23 =	simm.s32 $0x1800;
	[sflag:s16] =	ssyncadd.s32 $0xFFFF8000  }
0xc0: {  	[tilespmem:s13], [sflag:$0x1] =	stream.indirect.gather [hbm4b:s3+s12], $0x80, s23, s12, $0xb8;
	[tilespmem:$0x12C00] =	vst v63  }
0xc1: {  	_ =	swait.ge [sflag:s17], $0x8000  }
0xc2: {  	[sflag:s17] =	ssyncset.done $0x0  }
0xc3: {  	s21 =	rddreg [dreg:$0xe];
	[sflag:s17] =	ssyncadd.s32 $0xFFFF8000  }
0xc4: {  	[hbm4b:s21+s2] =	stream.linear.scatter [tilespmem:s14], [sflag:$0x4], $0x8000, $0x38;
	[tilespmem:$0x12C00] =	vst v63  }
0xc5: {  	_ =	swait.ge [sflag:s18], $0x8000  }
0xc6: {  	[sflag:s18] =	ssyncset.done $0x0  }
0xc7: {  	s22 =	simm.s32 $0x1900;
	[sflag:s18] =	ssyncadd.s32 $0xFFFF8000  }
0xc8: {  	[tilespmem:s14], [sflag:$0x2] =	stream.indirect.gather [hbm4b:s3+s12], $0x80, s22, s12, $0xb8;
	[tilespmem:$0x12C00] =	vst v63  }
0xc9: {  	_ =	swait.ge [sflag:s15], $0x8000  }
0xca: {  	[sflag:s15] =	ssyncset.done $0x0  }
0xcb: {  	s23 =	rddreg [dreg:$0xf];
	[sflag:s15] =	ssyncadd.s32 $0xFFFF8000  }
0xcc: {  	[hbm4b:s23+s2] =	stream.linear.scatter [tilespmem:s13], [sflag:$0x3], $0x8000, $0x38;
	[tilespmem:$0x12C00] =	vst v63  }
0xcd: {  	_ =	swait.ge [sflag:s16], $0x8000  }
0xce: {  	[sflag:s16] =	ssyncset.done $0x0  }
0xcf: {  	s21 =	simm.s32 $0x1A00;
	[sflag:s16] =	ssyncadd.s32 $0xFFFF8000  }
0xd0: {  	[tilespmem:s13], [sflag:$0x1] =	stream.indirect.gather [hbm4b:s3+s12], $0x80, s21, s12, $0xb8;
	[tilespmem:$0x12C00] =	vst v63  }
0xd1: {  	_ =	swait.ge [sflag:s17], $0x8000  }
0xd2: {  	[sflag:s17] =	ssyncset.done $0x0  }
0xd3: {  	s22 =	rddreg [dreg:$0x10];
	[sflag:s17] =	ssyncadd.s32 $0xFFFF8000  }
0xd4: {  	[hbm4b:s22+s2] =	stream.linear.scatter [tilespmem:s14], [sflag:$0x4], $0x8000, $0x38;
	[tilespmem:$0x12C00] =	vst v63  }
0xd5: {  	_ =	swait.ge [sflag:s18], $0x8000  }
0xd6: {  	[sflag:s18] =	ssyncset.done $0x0  }
0xd7: {  	s23 =	simm.s32 $0x1B00;
	[sflag:s18] =	ssyncadd.s32 $0xFFFF8000  }
0xd8: {  	[tilespmem:s14], [sflag:$0x2] =	stream.indirect.gather [hbm4b:s3+s12], $0x80, s23, s12, $0xb8;
	[tilespmem:$0x12C00] =	vst v63  }
0xd9: {  	_ =	swait.ge [sflag:s15], $0x8000  }
0xda: {  	[sflag:s15] =	ssyncset.done $0x0  }
0xdb: {  	s21 =	rddreg [dreg:$0x11];
	[sflag:s15] =	ssyncadd.s32 $0xFFFF8000  }
0xdc: {  	[hbm4b:s21+s2] =	stream.linear.scatter [tilespmem:s13], [sflag:$0x3], $0x8000, $0x38;
	[tilespmem:$0x12C00] =	vst v63  }
0xdd: {  	_ =	swait.ge [sflag:s16], $0x8000  }
0xde: {  	[sflag:s16] =	ssyncset.done $0x0  }
0xdf: {  	s22 =	simm.s32 $0x1C00;
	[sflag:s16] =	ssyncadd.s32 $0xFFFF8000  }
0xe0: {  	[tilespmem:s13], [sflag:$0x1] =	stream.indirect.gather [hbm4b:s3+s12], $0x80, s22, s12, $0xb8;
	[tilespmem:$0x12C00] =	vst v63  }
0xe1: {  	_ =	swait.ge [sflag:s17], $0x8000  }
0xe2: {  	[sflag:s17] =	ssyncset.done $0x0  }
0xe3: {  	s23 =	rddreg [dreg:$0x12];
	[sflag:s17] =	ssyncadd.s32 $0xFFFF8000  }
0xe4: {  	[hbm4b:s23+s2] =	stream.linear.scatter [tilespmem:s14], [sflag:$0x4], $0x8000, $0x38;
	[tilespmem:$0x12C00] =	vst v63  }
0xe5: {  	_ =	swait.ge [sflag:s18], $0x8000  }
0xe6: {  	[sflag:s18] =	ssyncset.done $0x0  }
0xe7: {  	s21 =	simm.s32 $0x1D00;
	[sflag:s18] =	ssyncadd.s32 $0xFFFF8000  }
0xe8: {  	[tilespmem:s14], [sflag:$0x2] =	stream.indirect.gather [hbm4b:s3+s12], $0x80, s21, s12, $0xb8;
	[tilespmem:$0x12C00] =	vst v63  }
0xe9: {  	_ =	swait.ge [sflag:s15], $0x8000  }
0xea: {  	[sflag:s15] =	ssyncset.done $0x0  }
0xeb: {  	s22 =	rddreg [dreg:$0x13];
	[sflag:s15] =	ssyncadd.s32 $0xFFFF8000  }
0xec: {  	[hbm4b:s22+s2] =	stream.linear.scatter [tilespmem:s13], [sflag:$0x3], $0x8000, $0x38;
	[tilespmem:$0x12C00] =	vst v63  }
0xed: {  	_ =	swait.ge [sflag:s16], $0x8000  }
0xee: {  	[sflag:s16] =	ssyncset.done $0x0  }
0xef: {  	s23 =	simm.s32 $0x1E00;
	[sflag:s16] =	ssyncadd.s32 $0xFFFF8000  }
0xf0: {  	[tilespmem:s13], [sflag:$0x1] =	stream.indirect.gather [hbm4b:s3+s12], $0x80, s23, s12, $0xb8;
	[tilespmem:$0x12C00] =	vst v63  }
0xf1: {  	_ =	swait.ge [sflag:s17], $0x8000  }
0xf2: {  	[sflag:s17] =	ssyncset.done $0x0  }
0xf3: {  	s21 =	rddreg [dreg:$0x14];
	[sflag:s17] =	ssyncadd.s32 $0xFFFF8000  }
0xf4: {  	[hbm4b:s21+s2] =	stream.linear.scatter [tilespmem:s14], [sflag:$0x4], $0x8000, $0x38;
	[tilespmem:$0x12C00] =	vst v63  }
0xf5: {  	_ =	swait.ge [sflag:s18], $0x8000  }
0xf6: {  	[sflag:s18] =	ssyncset.done $0x0  }
0xf7: {  	s22 =	simm.s32 $0x1F00;
	[sflag:s18] =	ssyncadd.s32 $0xFFFF8000  }
0xf8: {  	[tilespmem:s14], [sflag:$0x2] =	stream.indirect.gather [hbm4b:s3+s12], $0x80, s22, s12, $0xb8;
	[tilespmem:$0x12C00] =	vst v63  }
0xf9: {  	_ =	swait.ge [sflag:s15], $0x8000  }
0xfa: {  	[sflag:s15] =	ssyncset.done $0x0  }
0xfb: {  	s23 =	rddreg [dreg:$0x15];
	[sflag:s15] =	ssyncadd.s32 $0xFFFF8000  }
0xfc: {  	[hbm4b:s23+s2] =	stream.linear.scatter [tilespmem:s13], [sflag:$0x3], $0x8000, $0x38;
	[tilespmem:$0x12C00] =	vst v63  }
0xfd: {  	_ =	swait.ge [sflag:s16], $0x8000  }
0xfe: {  	[sflag:s16] =	ssyncset.done $0x0  }
0xff: {  	s21 =	simm.s32 $0x2000;
	[sflag:s16] =	ssyncadd.s32 $0xFFFF8000  }
0x100: {  	[tilespmem:s13], [sflag:$0x1] =	stream.indirect.gather [hbm4b:s3+s12], $0x80, s21, s12, $0xb8;
	[tilespmem:$0x12C00] =	vst v63  }
0x101: {  	_ =	swait.ge [sflag:s17], $0x8000  }
0x102: {  	[sflag:s17] =	ssyncset.done $0x0  }
0x103: {  	[sflag:s17] =	ssyncadd.s32 $0xFFFF8000  }
0x104: {  	[hbm4b:s25+s2] =	stream.linear.scatter [tilespmem:s14], [sflag:$0x4], $0x8000, $0x38;
	[tilespmem:$0x12C00] =	vst v63  }
0x105: {  	_ =	swait.ge [sflag:s18], $0x8000  }
0x106: {  	[sflag:s18] =	ssyncset.done $0x0  }
0x107: {  	s22 =	simm.s32 $0x2100;
	[sflag:s18] =	ssyncadd.s32 $0xFFFF8000  }
0x108: {  	[tilespmem:s14], [sflag:$0x2] =	stream.indirect.gather [hbm4b:s3+s12], $0x80, s22, s12, $0xb8;
	[tilespmem:$0x12C00] =	vst v63  }
0x109: {  	_ =	swait.ge [sflag:s15], $0x8000  }
0x10a: {  	[sflag:s15] =	ssyncset.done $0x0  }
0x10b: {  	[sflag:s15] =	ssyncadd.s32 $0xFFFF8000  }
0x10c: {  	[hbm4b:s26+s2] =	stream.linear.scatter [tilespmem:s13], [sflag:$0x3], $0x8000, $0x38;
	[tilespmem:$0x12C00] =	vst v63  }
0x10d: {  	_ =	swait.ge [sflag:s16], $0x8000  }
0x10e: {  	[sflag:s16] =	ssyncset.done $0x0  }
0x10f: {  	s23 =	simm.s32 $0x2200;
	[sflag:s16] =	ssyncadd.s32 $0xFFFF8000  }
0x110: {  	[tilespmem:s13], [sflag:$0x1] =	stream.indirect.gather [hbm4b:s3+s12], $0x80, s23, s12, $0xb8;
	[tilespmem:$0x12C00] =	vst v63  }
0x111: {  	_ =	swait.ge [sflag:s17], $0x8000  }
0x112: {  	[sflag:s17] =	ssyncset.done $0x0  }
0x113: {  	[sflag:s17] =	ssyncadd.s32 $0xFFFF8000  }
0x114: {  	[hbm4b:s28+s2] =	stream.linear.scatter [tilespmem:s14], [sflag:$0x4], $0x8000, $0x38;
	[tilespmem:$0x12C00] =	vst v63  }
0x115: {  	_ =	swait.ge [sflag:s18], $0x8000  }
0x116: {  	[sflag:s18] =	ssyncset.done $0x0  }
0x117: {  	s21 =	simm.s32 $0x2300;
	[sflag:s18] =	ssyncadd.s32 $0xFFFF8000  }
0x118: {  	[tilespmem:s14], [sflag:$0x2] =	stream.indirect.gather [hbm4b:s3+s12], $0x80, s21, s12, $0xb8;
	[tilespmem:$0x12C00] =	vst v63  }
0x119: {  	_ =	swait.ge [sflag:s15], $0x8000  }
0x11a: {  	[sflag:s15] =	ssyncset.done $0x0  }
0x11b: {  	[sflag:s15] =	ssyncadd.s32 $0xFFFF8000  }
0x11c: {  	[hbm4b:s29+s2] =	stream.linear.scatter [tilespmem:s13], [sflag:$0x3], $0x8000, $0x38;
	[tilespmem:$0x12C00] =	vst v63  }
0x11d: {  	_ =	swait.ge [sflag:s16], $0x8000  }
0x11e: {  	[sflag:s16] =	ssyncset.done $0x0  }
0x11f: {  	s22 =	simm.s32 $0x2400;
	[sflag:s16] =	ssyncadd.s32 $0xFFFF8000  }
0x120: {  	[tilespmem:s13], [sflag:$0x1] =	stream.indirect.gather [hbm4b:s3+s12], $0x80, s22, s12, $0xb8;
	[tilespmem:$0x12C00] =	vst v63  }
0x121: {  	_ =	swait.ge [sflag:s17], $0x8000  }
0x122: {  	[sflag:s17] =	ssyncset.done $0x0  }
0x123: {  	[sflag:s17] =	ssyncadd.s32 $0xFFFF8000  }
0x124: {  	[hbm4b:s30+s2] =	stream.linear.scatter [tilespmem:s14], [sflag:$0x4], $0x8000, $0x38;
	[tilespmem:$0x12C00] =	vst v63  }
0x125: {  	_ =	swait.ge [sflag:s18], $0x8000  }
0x126: {  	[sflag:s18] =	ssyncset.done $0x0  }
0x127: {  	s23 =	simm.s32 $0x2500;
	[sflag:s18] =	ssyncadd.s32 $0xFFFF8000  }
0x128: {  	[tilespmem:s14], [sflag:$0x2] =	stream.indirect.gather [hbm4b:s3+s12], $0x80, s23, s12, $0xb8;
	[tilespmem:$0x12C00] =	vst v63  }
0x129: {  	_ =	swait.ge [sflag:s15], $0x8000  }
0x12a: {  	[sflag:s15] =	ssyncset.done $0x0  }
0x12b: {  	[sflag:s15] =	ssyncadd.s32 $0xFFFF8000  }
0x12c: {  	[hbm4b:s31+s2] =	stream.linear.scatter [tilespmem:s13], [sflag:$0x3], $0x8000, $0x38;
	[tilespmem:$0x12C00] =	vst v63  }
0x12d: {  	_ =	swait.ge [sflag:s16], $0x8000  }
0x12e: {  	[sflag:s16] =	ssyncset.done $0x0  }
0x12f: {  	s21 =	simm.s32 $0x2600;
	[sflag:s16] =	ssyncadd.s32 $0xFFFF8000  }
0x130: {  	[tilespmem:s13], [sflag:$0x1] =	stream.indirect.gather [hbm4b:s3+s12], $0x80, s21, s12, $0xb8;
	[tilespmem:$0x12C00] =	vst v63  }
0x131: {  	_ =	swait.ge [sflag:s17], $0x8000  }
0x132: {  	[sflag:s17] =	ssyncset.done $0x0  }
0x133: {  	[sflag:s17] =	ssyncadd.s32 $0xFFFF8000  }
0x134: {  	[hbm4b:s1+s2] =	stream.linear.scatter [tilespmem:s14], [sflag:$0x4], $0x8000, $0x38;
	[tilespmem:$0x12C00] =	vst v63  }
0x135: {  	_ =	swait.ge [sflag:s18], $0x8000  }
0x136: {  	[sflag:s18] =	ssyncset.done $0x0  }
0x137: {  	s22 =	simm.s32 $0x2700;
	[sflag:s18] =	ssyncadd.s32 $0xFFFF8000  }
0x138: {  	[tilespmem:s14], [sflag:$0x2] =	stream.indirect.gather [hbm4b:s3+s12], $0x80, s22, s12, $0xb8;
	[tilespmem:$0x12C00] =	vst v63  }
0x139: {  	_ =	swait.ge [sflag:s15], $0x8000  }
0x13a: {  	[sflag:s15] =	ssyncset.done $0x0  }
0x13b: {  	[sflag:s15] =	ssyncadd.s32 $0xFFFF8000  }
0x13c: {  	[hbm4b:s0+s2] =	stream.linear.scatter [tilespmem:s13], [sflag:$0x3], $0x8000, $0x38;
	[tilespmem:$0x12C00] =	vst v63  }
0x13d: {  	_ =	swait.ge [sflag:s16], $0x8000  }
0x13e: {  	[sflag:s16] =	ssyncset.done $0x0  }
0x13f: {  	s23 =	simm.s32 $0x2800;
	[sflag:s16] =	ssyncadd.s32 $0xFFFF8000  }
0x140: {  	[tilespmem:s13], [sflag:$0x1] =	stream.indirect.gather [hbm4b:s3+s12], $0x80, s23, s12, $0xb8;
	[tilespmem:$0x12C00] =	vst v63  }
0x141: {  	_ =	swait.ge [sflag:s17], $0x8000  }
0x142: {  	[sflag:s17] =	ssyncset.done $0x0  }
0x143: {  	[sflag:s17] =	ssyncadd.s32 $0xFFFF8000  }
0x144: {  	[hbm4b:s5+s2] =	stream.linear.scatter [tilespmem:s14], [sflag:$0x4], $0x8000, $0x38;
	[tilespmem:$0x12C00] =	vst v63  }
0x145: {  	_ =	swait.ge [sflag:s18], $0x8000  }
0x146: {  	[sflag:s18] =	ssyncset.done $0x0  }
0x147: {  	s21 =	simm.s32 $0x2900;
	[sflag:s18] =	ssyncadd.s32 $0xFFFF8000  }
0x148: {  	[tilespmem:s14], [sflag:$0x2] =	stream.indirect.gather [hbm4b:s3+s12], $0x80, s21, s12, $0xb8;
	[tilespmem:$0x12C00] =	vst v63  }
0x149: {  	_ =	swait.ge [sflag:s15], $0x8000  }
0x14a: {  	[sflag:s15] =	ssyncset.done $0x0  }
0x14b: {  	[sflag:s15] =	ssyncadd.s32 $0xFFFF8000  }
0x14c: {  	[hbm4b:s6+s2] =	stream.linear.scatter [tilespmem:s13], [sflag:$0x3], $0x8000, $0x38;
	[tilespmem:$0x12C00] =	vst v63  }
0x14d: {  	_ =	swait.ge [sflag:s16], $0x8000  }
0x14e: {  	[sflag:s16] =	ssyncset.done $0x0  }
0x14f: {  	s22 =	simm.s32 $0x2A00;
	[sflag:s16] =	ssyncadd.s32 $0xFFFF8000  }
0x150: {  	[tilespmem:s13], [sflag:$0x1] =	stream.indirect.gather [hbm4b:s3+s12], $0x80, s22, s12, $0xb8;
	[tilespmem:$0x12C00] =	vst v63  }
0x151: {  	_ =	swait.ge [sflag:s17], $0x8000  }
0x152: {  	[sflag:s17] =	ssyncset.done $0x0  }
0x153: {  	[sflag:s17] =	ssyncadd.s32 $0xFFFF8000  }
0x154: {  	[hbm4b:s7+s2] =	stream.linear.scatter [tilespmem:s14], [sflag:$0x4], $0x8000, $0x38;
	[tilespmem:$0x12C00] =	vst v63  }
0x155: {  	_ =	swait.ge [sflag:s18], $0x8000  }
0x156: {  	[sflag:s18] =	ssyncset.done $0x0  }
0x157: {  	s23 =	simm.s32 $0x2B00;
	[sflag:s18] =	ssyncadd.s32 $0xFFFF8000  }
0x158: {  	[tilespmem:s14], [sflag:$0x2] =	stream.indirect.gather [hbm4b:s3+s12], $0x80, s23, s12, $0xb8;
	[tilespmem:$0x12C00] =	vst v63  }
0x159: {  	_ =	swait.ge [sflag:s15], $0x8000  }
0x15a: {  	[sflag:s15] =	ssyncset.done $0x0  }
0x15b: {  	[sflag:s15] =	ssyncadd.s32 $0xFFFF8000  }
0x15c: {  	[hbm4b:s8+s2] =	stream.linear.scatter [tilespmem:s13], [sflag:$0x3], $0x8000, $0x38;
	[tilespmem:$0x12C00] =	vst v63  }
0x15d: {  	_ =	swait.ge [sflag:s17], $0x8000  }
0x15e: {  	[sflag:s17] =	ssyncset.done $0x0  }
0x15f: {  	s19 =	sadd.s32 $0x1, s19;
	[sflag:s17] =	ssyncadd.s32 $0xFFFF8000  }
0x160: {  	[hbm4b:s9+s2] =	stream.linear.scatter [tilespmem:s14], [sflag:$0x5], $0x8000, $0x38;
	[tilespmem:$0x12C00] =	vst v63  }
0x161: {  	p0 =	sne.s32 s19, s24;
	_ =	swait.ge [sflag:s10], $0x8000  }
.Ltmp1:
0x162: {  	[sflag:s10] =	ssyncset.done $0x0;
	(pc) =	sbr.rel @p0 .LBB2_1-.Ltmp1, $4  }
0x163: {  	[sflag:s10] =	ssyncadd.s32 $0xFFFF8000  }
0x164: {  	_ =	swait.ge [sflag:s16], $0x8000  }
0x165: {  	[sflag:s16] =	ssyncset.done $0x0  }
0x166: {  	[sflag:s16] =	ssyncadd.s32 $0xFFFF8000  }
0x167: {  	_ =	sfence.sel $0x180000  }
0x168: {  	[bflag:$0x0] =	sbarrier.arrive $0xFFFF  }
0x169: {  	_ =	strace $0x90000047  }
0x16a: {  	s0 =	stileid.u32;
	[bflag:$0x2] =	sbarrier.arrive $0xFFFF  }
0x16b: {  	p0 =	sne.s32 s0, $0x0;
	s0 =	rddreg [dreg:$0x2]  }
0x16c: {  	s0 =	sadd.s32 @!p0 $0x100000, s0  }
0x16d: {  	[sflag:s0] =	ssyncadd.tile.s32 @!p0 $0x1;
	_ =	shalt  }
.Lfunc_end2:
_tile_overlayer_lowered:
.L_overlay_start_2:
0x16e: {  	(tag) =	ssettag $0x2  }
0x16f: {  	s0 =	rddreg [dreg:$0x0];
	s2 =	stileid.u32  }
0x170: {  	s1 =	rddreg [dreg:$0x1];
	p0 =	sne.s32 s2, $0x0  }
0x171: {  	s3 =	rddreg [dreg:$0x2];
	[bflag:$0x3] =	sbarrier.arrive $0xFFFF;
	s2 =	simm.s32 @!p0 $0x1C05  }
0x172: {  	[timem:s3], [sflag:s2] =	dma.local @!p0 [hbm:s0], s1  }
0x173: {  	s0 =	simm.s32 @!p0 $0x5  }
0x174: {  	_ =	swait.ge @!p0 [sflag:s0], s1  }
0x175: {  	s1 =	ssub.s32 @!p0 $0x0, s1;
	[sflag:s0] =	ssyncset.done @!p0 $0x0  }
0x176: {  	[sflag:s0] =	ssyncadd.s32 @!p0 s1  }
0x177: {  	[bflag:$0x3] =	sbarrier.arrive $0xFFFF  }
0x178: {  	_ =	shalt  }

</sc_bundles>
